<compile_context>
chip_gen: v7x
topology: tpu7x:2x2x1
jax: 0.10.2.dev20260603
libtpu: 0.0.44.dev20260713+nightly
codegen_flags: <defaults>
</compile_context>

<pallas_src>
import functools

import jax
import jax.numpy as jnp
from jax import lax
from jax.experimental import pallas as pl
from jax.experimental.pallas import tpu as pltpu
from jax.experimental.pallas import tpu_sc as plsc

N_NODES = 10000
N_EDGES = 320000
D = 128

NC = 2
NS = 16
NW = NC * NS
L = 16
K = 80
CH = N_EDGES // (NW * K)
IB = 25
NB = CH // IB
N_PAD = 10240
ROWS_PER_TILE = N_PAD // NS


def _sc_aggregate(x, src3d, dst3d, zagg):
    mesh = plsc.VectorSubcoreMesh(core_axis_name="c", subcore_axis_name="s")

    @functools.partial(
        pl.kernel,
        out_type=(
            jax.ShapeDtypeStruct((NC, N_PAD, D), jnp.bfloat16),
            jax.ShapeDtypeStruct((NW, N_PAD), jnp.float32),
        ),
        mesh=mesh,
        compiler_params=pltpu.CompilerParams(use_tc_tiling_on_sc=False,
                                             needs_layout_passes=False),
        scratch_types=[
            pltpu.VMEM((2, IB, K), jnp.int32),
            pltpu.VMEM((2, IB, K), jnp.int32),
            pltpu.VMEM((K, D), jnp.bfloat16),
            pltpu.VMEM((K, D), jnp.bfloat16),
            pltpu.VMEM((N_PAD,), jnp.float32),
            pltpu.SemaphoreType.DMA,
            pltpu.SemaphoreType.DMA,
            pltpu.SemaphoreType.DMA,
            pltpu.VMEM_SHARED((N_PAD, D), jnp.bfloat16),
        ],
    )
    def sc_body(x_hbm, src_hbm, dst_hbm, zagg_hbm,
                agg_out, deg_out,
                src_v, dst_v, rows_a, rows_b, hist_v, sem_a, sem_b, sem_i,
                sh_agg):
        c = lax.axis_index("c")
        s = lax.axis_index("s")
        wid = s * NC + c
        r0 = s * ROWS_PER_TILE
        pltpu.sync_copy(zagg_hbm.at[pl.ds(r0, ROWS_PER_TILE)],
                        sh_agg.at[pl.ds(r0, ROWS_PER_TILE)])
        zeros16 = jnp.zeros((L,), jnp.float32)

        def zbody(i, carry):
            hist_v[pl.ds(i * L, L)] = zeros16
            return carry

        lax.fori_loop(0, N_PAD // L, zbody, 0)
        pltpu.async_copy(src_hbm.at[wid, 0], src_v.at[0], sem_i)
        pltpu.async_copy(dst_hbm.at[wid, 0], dst_v.at[0], sem_i)
        plsc.subcore_barrier()

        ones16 = jnp.ones((L,), jnp.float32)

        def histo(dref, j):
            for i in range(K // L):
                idx = dref[j, pl.ds(i * L, L)]
                plsc.addupdate_scatter(hist_v, [idx], ones16)

        def blk_body(bk, carry):
            sb = bk % 2
            pltpu.make_async_copy(src_hbm.at[wid, bk], src_v.at[sb], sem_i).wait()
            pltpu.make_async_copy(dst_hbm.at[wid, bk], dst_v.at[sb], sem_i).wait()
            src_b, dst_b = src_v.at[sb], dst_v.at[sb]

            @pl.when(bk + 1 < NB)
            def _():
                pltpu.async_copy(src_hbm.at[wid, bk + 1], src_v.at[1 - sb], sem_i)
                pltpu.async_copy(dst_hbm.at[wid, bk + 1], dst_v.at[1 - sb], sem_i)

            pltpu.async_copy(x_hbm.at[src_b.at[0]], rows_a, sem_a)

            def body(t, c2):
                j = 2 * t
                pltpu.async_copy(x_hbm.at[src_b.at[j + 1]], rows_b, sem_b)
                histo(dst_b, j)
                pltpu.make_async_copy(x_hbm.at[src_b.at[j]], rows_a, sem_a).wait()
                pltpu.sync_copy(rows_a, sh_agg.at[dst_b.at[j]], add=True)
                pltpu.async_copy(x_hbm.at[src_b.at[j + 2]], rows_a, sem_a)
                histo(dst_b, j + 1)
                pltpu.make_async_copy(x_hbm.at[src_b.at[j + 1]], rows_b, sem_b).wait()
                pltpu.sync_copy(rows_b, sh_agg.at[dst_b.at[j + 1]], add=True)
                return c2

            lax.fori_loop(0, (IB - 1) // 2, body, 0)
            histo(dst_b, IB - 1)
            pltpu.make_async_copy(x_hbm.at[src_b.at[IB - 1]], rows_a, sem_a).wait()
            pltpu.sync_copy(rows_a, sh_agg.at[dst_b.at[IB - 1]], add=True)
            return carry

        lax.fori_loop(0, NB, blk_body, 0)
        pltpu.sync_copy(hist_v, deg_out.at[wid])
        plsc.subcore_barrier()
        pltpu.sync_copy(sh_agg.at[pl.ds(r0, ROWS_PER_TILE)],
                        agg_out.at[c, pl.ds(r0, ROWS_PER_TILE)])

    return sc_body(x, src3d, dst3d, zagg)


def _tc_body(x_r, agg_r, deg_r, ws_r, wn_r, b_r, o_r):
    a = (agg_r[0, :N_NODES].astype(jnp.float32)
         + agg_r[1, :N_NODES].astype(jnp.float32))
    d = jnp.sum(deg_r[...], axis=0)[:N_NODES, None]
    a = a / jnp.maximum(d, 1.0)
    o = (jnp.dot(x_r[...], ws_r[...], preferred_element_type=jnp.float32)
         + jnp.dot(a, wn_r[...], preferred_element_type=jnp.float32)
         + b_r[...])
    o_r[...] = jnp.maximum(o, 0.0)


def _tc_combine(x, agg_p, deg_p, W_self, W_neigh, b2):
    return pl.pallas_call(
        _tc_body,
        out_shape=jax.ShapeDtypeStruct((N_NODES, D), jnp.float32),
    )(x, agg_p, deg_p, W_self, W_neigh, b2)


def kernel(x, edge_index, W_self, W_neigh, b):
    src3d = edge_index[0].reshape(NW, NB, IB, K)
    dst3d = edge_index[1].reshape(NW, NB, IB, K)
    zagg = jnp.zeros((N_PAD, D), jnp.bfloat16)
    agg_p, deg_p = _sc_aggregate(x.astype(jnp.bfloat16), src3d, dst3d, zagg)
    return _tc_combine(x, agg_p, deg_p, W_self, W_neigh, b.reshape(1, D))

# --- scband reference (transcript-rebuilt; emitter-appended) ---
"""Pipeline reference for scband-logic-message-passing-network-11003706213179 (READ-ONLY COPY).

The authoritative reference and input builder live on the scoring server;
editing this copy changes nothing except your own understanding.
"""

import jax, jax.numpy as jnp
import numpy as np

N_NODES = 10000
N_EDGES = 320000
D_IN = 128
D_OUT = 128


def setup_inputs(seed: int = 0) -> dict:
    key = jax.random.key(seed)
    k1, k2, k3, k4, k5 = jax.random.split(key, 5)
    x = jax.random.normal(k1, (N_NODES, D_IN), dtype=jnp.float32)
    edge_index = jax.random.randint(k2, (2, N_EDGES), 0, N_NODES, dtype=jnp.int32)
    scale = 1.0 / np.sqrt(D_IN)
    W_self = jax.random.normal(k3, (D_IN, D_OUT), dtype=jnp.float32) * scale
    W_neigh = jax.random.normal(k4, (D_IN, D_OUT), dtype=jnp.float32) * scale
    b = jnp.zeros((D_OUT,), dtype=jnp.float32)
    return {"x": x, "edge_index": edge_index, "W_self": W_self, "W_neigh": W_neigh, "b": b}


def reference(x, edge_index, W_self, W_neigh, b):
    # Logic-style message passing layer: gather source node features along
    # edges, aggregate messages at destination nodes via scatter-add
    # (segment_sum), then combine with a self transform.
    src = edge_index[0]
    dst = edge_index[1]
    num_nodes = x.shape[0]
    messages = jnp.take(x, src, axis=0)              # gather  [E, D_IN]
    agg = jax.ops.segment_sum(messages, dst, num_segments=num_nodes)  # scatter-add [N, D_IN]
    # degree normalization (mean aggregation), as in message-passing nets
    deg = jax.ops.segment_sum(jnp.ones((src.shape[0],), dtype=x.dtype), dst, num_segments=num_nodes)
    deg = jnp.clip(deg, 1.0, None)[:, None]
    agg = agg / deg
    out = jax.nn.relu(x @ W_self + agg @ W_neigh + b)
    return out

if __name__ == "__main__":
    import jax
    _d = setup_inputs()
    print(jax.jit(kernel)(*tuple(_d.values())))

</pallas_src>

<mosaic_0001>
#map = affine_map<(d0, d1) -> (0, 0)>
#map1 = affine_map<(d0, d1) -> (0, 0, 0, 0)>
#map2 = affine_map<(d0, d1) -> (0, 0, 0)>
module attributes {stable_mosaic.version = 14 : i64} {
  func.func @sc_body(%arg0: i32, %arg1: i32, %arg2: memref<10000x128xbf16, #tpu.memory_space<hbm>>, %arg3: memref<32x5x25x80xi32, #tpu.memory_space<hbm>>, %arg4: memref<32x5x25x80xi32, #tpu.memory_space<hbm>>, %arg5: memref<10240x128xbf16, #tpu.memory_space<hbm>>, %arg6: memref<2x10240x128xbf16, #tpu.memory_space<hbm>>, %arg7: memref<32x10240xf32, #tpu.memory_space<hbm>>, %arg8: memref<2x25x80xi32, #tpu.memory_space<vmem>>, %arg9: memref<2x25x80xi32, #tpu.memory_space<vmem>>, %arg10: memref<80x128xbf16, #tpu.memory_space<vmem>>, %arg11: memref<80x128xbf16, #tpu.memory_space<vmem>>, %arg12: memref<10240xf32, #tpu.memory_space<vmem>>, %arg13: memref<!tpu.dma_semaphore, #tpu.memory_space<semaphore_mem>>, %arg14: memref<!tpu.dma_semaphore, #tpu.memory_space<semaphore_mem>>, %arg15: memref<!tpu.dma_semaphore, #tpu.memory_space<semaphore_mem>>, %arg16: memref<10240x128xbf16, #tpu.memory_space<vmem_shared>>) attributes {dimension_semantics = [#tpu.dimension_semantics<core_parallel>, #tpu.dimension_semantics<subcore_parallel>], iteration_bounds = array<i64: 2, 16>, scalar_prefetch = 0 : i64, scratch_operands = 9 : i64, tpu.core_type = #tpu.core_type<sc_vector_subcore>, window_params = [{transform_indices = #map}, {transform_indices = #map1}, {transform_indices = #map1}, {transform_indices = #map}, {transform_indices = #map2}, {transform_indices = #map}]} {
    %mul3A = arith.constant 2 : i32
    %mul3A_0 = arith.muli %arg1, %mul3A : i32
    %add3A = arith.addi %mul3A_0, %arg0 : i32
    %mul3A_1 = arith.constant 640 : i32
    %mul3A_2 = arith.muli %arg1, %mul3A_1 : i32
    "tpu.region"() ({
      %run_scoped3A = tpu.sem_alloc : memref<!tpu.dma_semaphore, #tpu.memory_space<semaphore_mem>>
      %dma_start3A_53 = arith.constant 0 : i32
      %dma_start3A_54 = tpu.memref_slice %arg16[%mul3A_2, %dma_start3A_53] : memref<10240x128xbf16, #tpu.memory_space<vmem_shared>> -> memref<640x128xbf16, #tpu.memory_space<vmem_shared>>
      %dma_start3A_55 = arith.constant 0 : i32
      %dma_start3A_56 = tpu.memref_slice %arg5[%mul3A_2, %dma_start3A_55] : memref<10240x128xbf16, #tpu.memory_space<hbm>> -> memref<640x128xbf16, #tpu.memory_space<hbm>>
      tpu.enqueue_dma source(%dma_start3A_56 : memref<640x128xbf16, #tpu.memory_space<hbm>>) target(%dma_start3A_54 : memref<640x128xbf16, #tpu.memory_space<vmem_shared>>) target_semaphore(%run_scoped3A : memref<!tpu.dma_semaphore, #tpu.memory_space<semaphore_mem>>)
      %dma_wait3A = arith.constant 0 : i32
      %dma_wait3A_57 = tpu.memref_slice %arg16[%mul3A_2, %dma_wait3A] : memref<10240x128xbf16, #tpu.memory_space<vmem_shared>> -> memref<640x128xbf16, #tpu.memory_space<vmem_shared>>
      %dma_wait3A_58 = arith.constant 0 : i32
      %dma_wait3A_59 = tpu.memref_slice %arg5[%mul3A_2, %dma_wait3A_58] : memref<10240x128xbf16, #tpu.memory_space<hbm>> -> memref<640x128xbf16, #tpu.memory_space<hbm>>
      tpu.wait_dma2 semaphore(%run_scoped3A : memref<!tpu.dma_semaphore, #tpu.memory_space<semaphore_mem>>) src(%dma_wait3A_59 : memref<640x128xbf16, #tpu.memory_space<hbm>>) dst(%dma_wait3A_57 : memref<640x128xbf16, #tpu.memory_space<vmem_shared>>)
      tpu.yield
    }) : () -> ()
    %broadcast_in_dim3A = arith.constant 0.000000e+00 : f32
    %broadcast_in_dim3A_3 = vector.broadcast %broadcast_in_dim3A : f32 to vector<16xf32>
    %scan3A = arith.constant 0 : i32
    %scan3A_4 = arith.constant 0 : i32
    %scan3A_5 = arith.constant 640 : i32
    %scan3A_6 = arith.addi %scan3A_4, %scan3A_5 : i32
    %scan3A_7 = arith.constant 1 : i32
    scf.for %scan3A_53 = %scan3A_4 to %scan3A_6 step %scan3A_7  : i32 {
      %mul3A_54 = arith.constant 16 : i32
      %mul3A_55 = arith.muli %scan3A_53, %mul3A_54 : i32
      %swap3A = arith.index_cast %mul3A_55 : i32 to index
      %swap3A_56 = tpu.vector_load %arg12[%swap3A] {strides = array<i32>} : memref<10240xf32, #tpu.memory_space<vmem>>, vector<16xf32>,
      tpu.vector_store %arg12[%swap3A], %broadcast_in_dim3A_3 {strides = array<i32>} : memref<10240xf32, #tpu.memory_space<vmem>>, vector<16xf32>,
    }
    %scan3A_8 = arith.constant 640 : i32
    %dma_start3A = arith.constant 0 : i32
    %dma_start3A_9 = arith.constant 0 : i32
    %dma_start3A_10 = arith.constant 0 : i32
    %dma_start3A_11 = arith.constant 0 : i32
    %dma_start3A_12 = tpu.memref_slice %arg8[%dma_start3A_9, %dma_start3A_10, %dma_start3A_11] : memref<2x25x80xi32, #tpu.memory_space<vmem>> -> memref<1x25x80xi32, #tpu.memory_space<vmem>>
    %dma_start3A_13 = tpu.memref_squeeze %dma_start3A_12 : memref<1x25x80xi32, #tpu.memory_space<vmem>> -> memref<25x80xi32, #tpu.memory_space<vmem>>
    %dma_start3A_14 = arith.constant 0 : i32
    %dma_start3A_15 = arith.constant 0 : i32
    %dma_start3A_16 = tpu.memref_slice %arg3[%add3A, %dma_start3A, %dma_start3A_14, %dma_start3A_15] : memref<32x5x25x80xi32, #tpu.memory_space<hbm>> -> memref<1x1x25x80xi32, #tpu.memory_space<hbm>>
    %dma_start3A_17 = tpu.memref_squeeze %dma_start3A_16 : memref<1x1x25x80xi32, #tpu.memory_space<hbm>> -> memref<25x80xi32, #tpu.memory_space<hbm>>
    %dma_start3A_18 = arith.constant 0 : i32
    %dma_start3A_19 = arith.constant 0 : i32
    %dma_start3A_20 = tpu.memref_slice %arg8[%dma_start3A_9, %dma_start3A_18, %dma_start3A_19] : memref<2x25x80xi32, #tpu.memory_space<vmem>> -> memref<1x25x80xi32, #tpu.memory_space<vmem>>
    %dma_start3A_21 = tpu.memref_squeeze %dma_start3A_20 : memref<1x25x80xi32, #tpu.memory_space<vmem>> -> memref<25x80xi32, #tpu.memory_space<vmem>>
    %dma_start3A_22 = arith.constant 0 : i32
    %dma_start3A_23 = arith.constant 0 : i32
    %dma_start3A_24 = tpu.memref_slice %arg3[%add3A, %dma_start3A, %dma_start3A_22, %dma_start3A_23] : memref<32x5x25x80xi32, #tpu.memory_space<hbm>> -> memref<1x1x25x80xi32, #tpu.memory_space<hbm>>
    %dma_start3A_25 = tpu.memref_squeeze %dma_start3A_24 : memref<1x1x25x80xi32, #tpu.memory_space<hbm>> -> memref<25x80xi32, #tpu.memory_space<hbm>>
    tpu.enqueue_dma source(%dma_start3A_25 : memref<25x80xi32, #tpu.memory_space<hbm>>) target(%dma_start3A_21 : memref<25x80xi32, #tpu.memory_space<vmem>>) target_semaphore(%arg15 : memref<!tpu.dma_semaphore, #tpu.memory_space<semaphore_mem>>)
    %dma_start3A_26 = arith.constant 0 : i32
    %dma_start3A_27 = arith.constant 0 : i32
    %dma_start3A_28 = arith.constant 0 : i32
    %dma_start3A_29 = arith.constant 0 : i32
    %dma_start3A_30 = tpu.memref_slice %arg9[%dma_start3A_27, %dma_start3A_28, %dma_start3A_29] : memref<2x25x80xi32, #tpu.memory_space<vmem>> -> memref<1x25x80xi32, #tpu.memory_space<vmem>>
    %dma_start3A_31 = tpu.memref_squeeze %dma_start3A_30 : memref<1x25x80xi32, #tpu.memory_space<vmem>> -> memref<25x80xi32, #tpu.memory_space<vmem>>
    %dma_start3A_32 = arith.constant 0 : i32
    %dma_start3A_33 = arith.constant 0 : i32
    %dma_start3A_34 = tpu.memref_slice %arg4[%add3A, %dma_start3A_26, %dma_start3A_32, %dma_start3A_33] : memref<32x5x25x80xi32, #tpu.memory_space<hbm>> -> memref<1x1x25x80xi32, #tpu.memory_space<hbm>>
    %dma_start3A_35 = tpu.memref_squeeze %dma_start3A_34 : memref<1x1x25x80xi32, #tpu.memory_space<hbm>> -> memref<25x80xi32, #tpu.memory_space<hbm>>
    %dma_start3A_36 = arith.constant 0 : i32
    %dma_start3A_37 = arith.constant 0 : i32
    %dma_start3A_38 = tpu.memref_slice %arg9[%dma_start3A_27, %dma_start3A_36, %dma_start3A_37] : memref<2x25x80xi32, #tpu.memory_space<vmem>> -> memref<1x25x80xi32, #tpu.memory_space<vmem>>
    %dma_start3A_39 = tpu.memref_squeeze %dma_start3A_38 : memref<1x25x80xi32, #tpu.memory_space<vmem>> -> memref<25x80xi32, #tpu.memory_space<vmem>>
    %dma_start3A_40 = arith.constant 0 : i32
    %dma_start3A_41 = arith.constant 0 : i32
    %dma_start3A_42 = tpu.memref_slice %arg4[%add3A, %dma_start3A_26, %dma_start3A_40, %dma_start3A_41] : memref<32x5x25x80xi32, #tpu.memory_space<hbm>> -> memref<1x1x25x80xi32, #tpu.memory_space<hbm>>
    %dma_start3A_43 = tpu.memref_squeeze %dma_start3A_42 : memref<1x1x25x80xi32, #tpu.memory_space<hbm>> -> memref<25x80xi32, #tpu.memory_space<hbm>>
    tpu.enqueue_dma source(%dma_start3A_43 : memref<25x80xi32, #tpu.memory_space<hbm>>) target(%dma_start3A_39 : memref<25x80xi32, #tpu.memory_space<vmem>>) target_semaphore(%arg15 : memref<!tpu.dma_semaphore, #tpu.memory_space<semaphore_mem>>)
    %barrier3A = arith.constant 0 : index
    tpu.barrier barrier_id(%barrier3A)
    %broadcast_in_dim3A_44 = arith.constant 1.000000e+00 : f32
    %broadcast_in_dim3A_45 = vector.broadcast %broadcast_in_dim3A_44 : f32 to vector<16xf32>
    %scan3A_46 = arith.constant 0 : i32
    %scan3A_47 = arith.constant 0 : i32
    %scan3A_48 = arith.constant 5 : i32
    %scan3A_49 = arith.addi %scan3A_47, %scan3A_48 : i32
    %scan3A_50 = arith.constant 1 : i32
    scf.for %scan3A_53 = %scan3A_47 to %scan3A_49 step %scan3A_50  : i32 {
      %jit3A = arith.constant 2 : i32
      %eq3A = arith.constant 0 : i32
      %eq3A_54 = arith.cmpi eq, %jit3A, %eq3A : i32
      %jit3A_55 = arith.constant 1 : i32
      %select_n3A = arith.select %eq3A_54, %jit3A_55, %jit3A : i32
      %rem3A = arith.remsi %scan3A_53, %select_n3A : i32
      %ne3A = arith.constant 0 : i32
      %ne3A_56 = arith.cmpi ne, %rem3A, %ne3A : i32
      %lt3A = arith.constant 0 : i32
      %lt3A_57 = arith.cmpi slt, %rem3A, %lt3A : i32
      %lt3A_58 = arith.constant 0 : i32
      %lt3A_59 = arith.cmpi slt, %select_n3A, %lt3A_58 : i32
      %ne3A_60 = arith.xori %lt3A_57, %lt3A_59 : i1
      %and3A = arith.andi %ne3A_60, %ne3A_56 : i1
      %add3A_61 = arith.addi %rem3A, %select_n3A : i32
      %select_n3A_62 = arith.select %and3A, %add3A_61, %rem3A : i32
      %dma_wait3A = arith.constant 0 : i32
      %dma_wait3A_63 = arith.constant 0 : i32
      %dma_wait3A_64 = tpu.memref_slice %arg8[%select_n3A_62, %dma_wait3A, %dma_wait3A_63] : memref<2x25x80xi32, #tpu.memory_space<vmem>> -> memref<1x25x80xi32, #tpu.memory_space<vmem>>
      %dma_wait3A_65 = tpu.memref_squeeze %dma_wait3A_64 : memref<1x25x80xi32, #tpu.memory_space<vmem>> -> memref<25x80xi32, #tpu.memory_space<vmem>>
      %dma_wait3A_66 = arith.constant 0 : i32
      %dma_wait3A_67 = arith.constant 0 : i32
      %dma_wait3A_68 = tpu.memref_slice %arg3[%add3A, %scan3A_53, %dma_wait3A_66, %dma_wait3A_67] : memref<32x5x25x80xi32, #tpu.memory_space<hbm>> -> memref<1x1x25x80xi32, #tpu.memory_space<hbm>>
      %dma_wait3A_69 = tpu.memref_squeeze %dma_wait3A_68 : memref<1x1x25x80xi32, #tpu.memory_space<hbm>> -> memref<25x80xi32, #tpu.memory_space<hbm>>
      %dma_wait3A_70 = arith.constant 0 : i32
      %dma_wait3A_71 = arith.constant 0 : i32
      %dma_wait3A_72 = tpu.memref_slice %arg8[%select_n3A_62, %dma_wait3A_70, %dma_wait3A_71] : memref<2x25x80xi32, #tpu.memory_space<vmem>> -> memref<1x25x80xi32, #tpu.memory_space<vmem>>
      %dma_wait3A_73 = tpu.memref_squeeze %dma_wait3A_72 : memref<1x25x80xi32, #tpu.memory_space<vmem>> -> memref<25x80xi32, #tpu.memory_space<vmem>>
      %dma_wait3A_74 = arith.constant 0 : i32
      %dma_wait3A_75 = arith.constant 0 : i32
      %dma_wait3A_76 = tpu.memref_slice %arg3[%add3A, %scan3A_53, %dma_wait3A_74, %dma_wait3A_75] : memref<32x5x25x80xi32, #tpu.memory_space<hbm>> -> memref<1x1x25x80xi32, #tpu.memory_space<hbm>>
      %dma_wait3A_77 = tpu.memref_squeeze %dma_wait3A_76 : memref<1x1x25x80xi32, #tpu.memory_space<hbm>> -> memref<25x80xi32, #tpu.memory_space<hbm>>
      tpu.wait_dma2 semaphore(%arg15 : memref<!tpu.dma_semaphore, #tpu.memory_space<semaphore_mem>>) src(%dma_wait3A_77 : memref<25x80xi32, #tpu.memory_space<hbm>>) dst(%dma_wait3A_73 : memref<25x80xi32, #tpu.memory_space<vmem>>)
      %dma_wait3A_78 = arith.constant 0 : i32
      %dma_wait3A_79 = arith.constant 0 : i32
      %dma_wait3A_80 = tpu.memref_slice %arg9[%select_n3A_62, %dma_wait3A_78, %dma_wait3A_79] : memref<2x25x80xi32, #tpu.memory_space<vmem>> -> memref<1x25x80xi32, #tpu.memory_space<vmem>>
      %dma_wait3A_81 = tpu.memref_squeeze %dma_wait3A_80 : memref<1x25x80xi32, #tpu.memory_space<vmem>> -> memref<25x80xi32, #tpu.memory_space<vmem>>
      %dma_wait3A_82 = arith.constant 0 : i32
      %dma_wait3A_83 = arith.constant 0 : i32
      %dma_wait3A_84 = tpu.memref_slice %arg4[%add3A, %scan3A_53, %dma_wait3A_82, %dma_wait3A_83] : memref<32x5x25x80xi32, #tpu.memory_space<hbm>> -> memref<1x1x25x80xi32, #tpu.memory_space<hbm>>
      %dma_wait3A_85 = tpu.memref_squeeze %dma_wait3A_84 : memref<1x1x25x80xi32, #tpu.memory_space<hbm>> -> memref<25x80xi32, #tpu.memory_space<hbm>>
      %dma_wait3A_86 = arith.constant 0 : i32
      %dma_wait3A_87 = arith.constant 0 : i32
      %dma_wait3A_88 = tpu.memref_slice %arg9[%select_n3A_62, %dma_wait3A_86, %dma_wait3A_87] : memref<2x25x80xi32, #tpu.memory_space<vmem>> -> memref<1x25x80xi32, #tpu.memory_space<vmem>>
      %dma_wait3A_89 = tpu.memref_squeeze %dma_wait3A_88 : memref<1x25x80xi32, #tpu.memory_space<vmem>> -> memref<25x80xi32, #tpu.memory_space<vmem>>
      %dma_wait3A_90 = arith.constant 0 : i32
      %dma_wait3A_91 = arith.constant 0 : i32
      %dma_wait3A_92 = tpu.memref_slice %arg4[%add3A, %scan3A_53, %dma_wait3A_90, %dma_wait3A_91] : memref<32x5x25x80xi32, #tpu.memory_space<hbm>> -> memref<1x1x25x80xi32, #tpu.memory_space<hbm>>
      %dma_wait3A_93 = tpu.memref_squeeze %dma_wait3A_92 : memref<1x1x25x80xi32, #tpu.memory_space<hbm>> -> memref<25x80xi32, #tpu.memory_space<hbm>>
      tpu.wait_dma2 semaphore(%arg15 : memref<!tpu.dma_semaphore, #tpu.memory_space<semaphore_mem>>) src(%dma_wait3A_93 : memref<25x80xi32, #tpu.memory_space<hbm>>) dst(%dma_wait3A_89 : memref<25x80xi32, #tpu.memory_space<vmem>>)
      %add3A_94 = arith.constant 1 : i32
      %add3A_95 = arith.addi %scan3A_53, %add3A_94 : i32
      %lt3A_96 = arith.constant 5 : i32
      %lt3A_97 = arith.cmpi slt, %add3A_95, %lt3A_96 : i32
      %convert_element_type3A = arith.extui %lt3A_97 : i1 to i32
      %cond3A = arith.constant 0 : i32
      %cond3A_98 = arith.cmpi ne, %convert_element_type3A, %cond3A : i32
      scf.if %cond3A_98 {
        %add3A_166 = arith.constant 1 : i32
        %add3A_167 = arith.addi %scan3A_53, %add3A_166 : i32
        %sub3A = arith.constant 1 : i32
        %sub3A_168 = arith.subi %sub3A, %select_n3A_62 : i32
        %dma_start3A_169 = arith.constant 0 : i32
        %dma_start3A_170 = arith.constant 0 : i32
        %dma_start3A_171 = tpu.memref_slice %arg8[%sub3A_168, %dma_start3A_169, %dma_start3A_170] : memref<2x25x80xi32, #tpu.memory_space<vmem>> -> memref<1x25x80xi32, #tpu.memory_space<vmem>>
        %dma_start3A_172 = tpu.memref_squeeze %dma_start3A_171 : memref<1x25x80xi32, #tpu.memory_space<vmem>> -> memref<25x80xi32, #tpu.memory_space<vmem>>
        %dma_start3A_173 = arith.constant 0 : i32
        %dma_start3A_174 = arith.constant 0 : i32
        %dma_start3A_175 = tpu.memref_slice %arg3[%add3A, %add3A_167, %dma_start3A_173, %dma_start3A_174] : memref<32x5x25x80xi32, #tpu.memory_space<hbm>> -> memref<1x1x25x80xi32, #tpu.memory_space<hbm>>
        %dma_start3A_176 = tpu.memref_squeeze %dma_start3A_175 : memref<1x1x25x80xi32, #tpu.memory_space<hbm>> -> memref<25x80xi32, #tpu.memory_space<hbm>>
        %dma_start3A_177 = arith.constant 0 : i32
        %dma_start3A_178 = arith.constant 0 : i32
        %dma_start3A_179 = tpu.memref_slice %arg8[%sub3A_168, %dma_start3A_177, %dma_start3A_178] : memref<2x25x80xi32, #tpu.memory_space<vmem>> -> memref<1x25x80xi32, #tpu.memory_space<vmem>>
        %dma_start3A_180 = tpu.memref_squeeze %dma_start3A_179 : memref<1x25x80xi32, #tpu.memory_space<vmem>> -> memref<25x80xi32, #tpu.memory_space<vmem>>
        %dma_start3A_181 = arith.constant 0 : i32
        %dma_start3A_182 = arith.constant 0 : i32
        %dma_start3A_183 = tpu.memref_slice %arg3[%add3A, %add3A_167, %dma_start3A_181, %dma_start3A_182] : memref<32x5x25x80xi32, #tpu.memory_space<hbm>> -> memref<1x1x25x80xi32, #tpu.memory_space<hbm>>
        %dma_start3A_184 = tpu.memref_squeeze %dma_start3A_183 : memref<1x1x25x80xi32, #tpu.memory_space<hbm>> -> memref<25x80xi32, #tpu.memory_space<hbm>>
        tpu.enqueue_dma source(%dma_start3A_184 : memref<25x80xi32, #tpu.memory_space<hbm>>) target(%dma_start3A_180 : memref<25x80xi32, #tpu.memory_space<vmem>>) target_semaphore(%arg15 : memref<!tpu.dma_semaphore, #tpu.memory_space<semaphore_mem>>)
        %add3A_185 = arith.constant 1 : i32
        %add3A_186 = arith.addi %scan3A_53, %add3A_185 : i32
        %sub3A_187 = arith.constant 1 : i32
        %sub3A_188 = arith.subi %sub3A_187, %select_n3A_62 : i32
        %dma_start3A_189 = arith.constant 0 : i32
        %dma_start3A_190 = arith.constant 0 : i32
        %dma_start3A_191 = tpu.memref_slice %arg9[%sub3A_188, %dma_start3A_189, %dma_start3A_190] : memref<2x25x80xi32, #tpu.memory_space<vmem>> -> memref<1x25x80xi32, #tpu.memory_space<vmem>>
        %dma_start3A_192 = tpu.memref_squeeze %dma_start3A_191 : memref<1x25x80xi32, #tpu.memory_space<vmem>> -> memref<25x80xi32, #tpu.memory_space<vmem>>
        %dma_start3A_193 = arith.constant 0 : i32
        %dma_start3A_194 = arith.constant 0 : i32
        %dma_start3A_195 = tpu.memref_slice %arg4[%add3A, %add3A_186, %dma_start3A_193, %dma_start3A_194] : memref<32x5x25x80xi32, #tpu.memory_space<hbm>> -> memref<1x1x25x80xi32, #tpu.memory_space<hbm>>
        %dma_start3A_196 = tpu.memref_squeeze %dma_start3A_195 : memref<1x1x25x80xi32, #tpu.memory_space<hbm>> -> memref<25x80xi32, #tpu.memory_space<hbm>>
        %dma_start3A_197 = arith.constant 0 : i32
        %dma_start3A_198 = arith.constant 0 : i32
        %dma_start3A_199 = tpu.memref_slice %arg9[%sub3A_188, %dma_start3A_197, %dma_start3A_198] : memref<2x25x80xi32, #tpu.memory_space<vmem>> -> memref<1x25x80xi32, #tpu.memory_space<vmem>>
        %dma_start3A_200 = tpu.memref_squeeze %dma_start3A_199 : memref<1x25x80xi32, #tpu.memory_space<vmem>> -> memref<25x80xi32, #tpu.memory_space<vmem>>
        %dma_start3A_201 = arith.constant 0 : i32
        %dma_start3A_202 = arith.constant 0 : i32
        %dma_start3A_203 = tpu.memref_slice %arg4[%add3A, %add3A_186, %dma_start3A_201, %dma_start3A_202] : memref<32x5x25x80xi32, #tpu.memory_space<hbm>> -> memref<1x1x25x80xi32, #tpu.memory_space<hbm>>
        %dma_start3A_204 = tpu.memref_squeeze %dma_start3A_203 : memref<1x1x25x80xi32, #tpu.memory_space<hbm>> -> memref<25x80xi32, #tpu.memory_space<hbm>>
        tpu.enqueue_dma source(%dma_start3A_204 : memref<25x80xi32, #tpu.memory_space<hbm>>) target(%dma_start3A_200 : memref<25x80xi32, #tpu.memory_space<vmem>>) target_semaphore(%arg15 : memref<!tpu.dma_semaphore, #tpu.memory_space<semaphore_mem>>)
      } else {
      }
      %dma_start3A_99 = arith.constant 0 : i32
      %dma_start3A_100 = arith.constant 0 : i32
      %dma_start3A_101 = arith.constant 0 : i32
      %dma_start3A_102 = tpu.memref_slice %arg8[%select_n3A_62, %dma_start3A_100, %dma_start3A_101] : memref<2x25x80xi32, #tpu.memory_space<vmem>> -> memref<1x25x80xi32, #tpu.memory_space<vmem>>
      %dma_start3A_103 = tpu.memref_squeeze %dma_start3A_102 : memref<1x25x80xi32, #tpu.memory_space<vmem>> -> memref<25x80xi32, #tpu.memory_space<vmem>>
      %dma_start3A_104 = arith.constant 0 : i32
      %dma_start3A_105 = tpu.memref_slice %dma_start3A_103[%dma_start3A_99, %dma_start3A_104] : memref<25x80xi32, #tpu.memory_space<vmem>> -> memref<1x80xi32, #tpu.memory_space<vmem>>
      %dma_start3A_106 = tpu.memref_squeeze %dma_start3A_105 : memref<1x80xi32, #tpu.memory_space<vmem>> -> memref<80xi32, #tpu.memory_space<vmem>>
      %dma_start3A_107 = arith.constant 0 : i32
      %dma_start3A_108 = arith.constant 0 : i32
      %dma_start3A_109 = tpu.memref_slice %arg2[%dma_start3A_107, %dma_start3A_108] : memref<10000x128xbf16, #tpu.memory_space<hbm>> -> memref<10000x128xbf16, #tpu.memory_space<hbm>>
      tpu.enqueue_indirect_dma source(%dma_start3A_109 : memref<10000x128xbf16, #tpu.memory_space<hbm>>) target(%arg10 : memref<80x128xbf16, #tpu.memory_space<vmem>>) offsets(%dma_start3A_106 : memref<80xi32, #tpu.memory_space<vmem>>) semaphore(%arg13 : memref<!tpu.dma_semaphore, #tpu.memory_space<semaphore_mem>>)
      %scan3A_110 = arith.constant 0 : i32
      %scan3A_111 = arith.constant 0 : i32
      %scan3A_112 = arith.constant 12 : i32
      %scan3A_113 = arith.addi %scan3A_111, %scan3A_112 : i32
      %scan3A_114 = arith.constant 1 : i32
      scf.for %scan3A_166 = %scan3A_111 to %scan3A_113 step %scan3A_114  : i32 {
        %mul3A_167 = arith.constant 2 : i32
        %mul3A_168 = arith.muli %mul3A_167, %scan3A_166 : i32
        %add3A_169 = arith.constant 1 : i32
        %add3A_170 = arith.addi %mul3A_168, %add3A_169 : i32
        %dma_start3A_171 = arith.constant 0 : i32
        %dma_start3A_172 = arith.constant 0 : i32
        %dma_start3A_173 = tpu.memref_slice %arg8[%select_n3A_62, %dma_start3A_171, %dma_start3A_172] : memref<2x25x80xi32, #tpu.memory_space<vmem>> -> memref<1x25x80xi32, #tpu.memory_space<vmem>>
        %dma_start3A_174 = tpu.memref_squeeze %dma_start3A_173 : memref<1x25x80xi32, #tpu.memory_space<vmem>> -> memref<25x80xi32, #tpu.memory_space<vmem>>
        %dma_start3A_175 = arith.constant 0 : i32
        %dma_start3A_176 = tpu.memref_slice %dma_start3A_174[%add3A_170, %dma_start3A_175] : memref<25x80xi32, #tpu.memory_space<vmem>> -> memref<1x80xi32, #tpu.memory_space<vmem>>
        %dma_start3A_177 = tpu.memref_squeeze %dma_start3A_176 : memref<1x80xi32, #tpu.memory_space<vmem>> -> memref<80xi32, #tpu.memory_space<vmem>>
        %dma_start3A_178 = arith.constant 0 : i32
        %dma_start3A_179 = arith.constant 0 : i32
        %dma_start3A_180 = tpu.memref_slice %arg2[%dma_start3A_178, %dma_start3A_179] : memref<10000x128xbf16, #tpu.memory_space<hbm>> -> memref<10000x128xbf16, #tpu.memory_space<hbm>>
        tpu.enqueue_indirect_dma source(%dma_start3A_180 : memref<10000x128xbf16, #tpu.memory_space<hbm>>) target(%arg11 : memref<80x128xbf16, #tpu.memory_space<vmem>>) offsets(%dma_start3A_177 : memref<80xi32, #tpu.memory_space<vmem>>) semaphore(%arg14 : memref<!tpu.dma_semaphore, #tpu.memory_space<semaphore_mem>>)
        %get3A_181 = arith.constant 0 : i32
        %get3A_182 = arith.constant 0 : i32
        %get3A_183 = tpu.memref_slice %arg9[%select_n3A_62, %get3A_181, %get3A_182] : memref<2x25x80xi32, #tpu.memory_space<vmem>> -> memref<1x25x80xi32, #tpu.memory_space<vmem>>
        %get3A_184 = tpu.memref_squeeze %get3A_183 : memref<1x25x80xi32, #tpu.memory_space<vmem>> -> memref<25x80xi32, #tpu.memory_space<vmem>>
        %get3A_185 = arith.index_cast %mul3A_168 : i32 to index
        %get3A_186 = arith.constant 0 : index
        %get3A_187 = tpu.vector_load %get3A_184[%get3A_185, %get3A_186] {strides = array<i32>} : memref<25x80xi32, #tpu.memory_space<vmem>>, vector<16xi32>,
        tpu.vector_store_idx %arg12[%get3A_187], %broadcast_in_dim3A_45 {add = true} : memref<10240xf32, #tpu.memory_space<vmem>>[vector<16xi32>], vector<16xf32>,
        %get3A_188 = arith.constant 0 : i32
        %get3A_189 = arith.constant 0 : i32
        %get3A_190 = tpu.memref_slice %arg9[%select_n3A_62, %get3A_188, %get3A_189] : memref<2x25x80xi32, #tpu.memory_space<vmem>> -> memref<1x25x80xi32, #tpu.memory_space<vmem>>
        %get3A_191 = tpu.memref_squeeze %get3A_190 : memref<1x25x80xi32, #tpu.memory_space<vmem>> -> memref<25x80xi32, #tpu.memory_space<vmem>>
        %get3A_192 = arith.index_cast %mul3A_168 : i32 to index
        %get3A_193 = arith.constant 16 : index
        %get3A_194 = tpu.vector_load %get3A_191[%get3A_192, %get3A_193] {strides = array<i32>} : memref<25x80xi32, #tpu.memory_space<vmem>>, vector<16xi32>,
        tpu.vector_store_idx %arg12[%get3A_194], %broadcast_in_dim3A_45 {add = true} : memref<10240xf32, #tpu.memory_space<vmem>>[vector<16xi32>], vector<16xf32>,
        %get3A_195 = arith.constant 0 : i32
        %get3A_196 = arith.constant 0 : i32
        %get3A_197 = tpu.memref_slice %arg9[%select_n3A_62, %get3A_195, %get3A_196] : memref<2x25x80xi32, #tpu.memory_space<vmem>> -> memref<1x25x80xi32, #tpu.memory_space<vmem>>
        %get3A_198 = tpu.memref_squeeze %get3A_197 : memref<1x25x80xi32, #tpu.memory_space<vmem>> -> memref<25x80xi32, #tpu.memory_space<vmem>>
        %get3A_199 = arith.index_cast %mul3A_168 : i32 to index
        %get3A_200 = arith.constant 32 : index
        %get3A_201 = tpu.vector_load %get3A_198[%get3A_199, %get3A_200] {strides = array<i32>} : memref<25x80xi32, #tpu.memory_space<vmem>>, vector<16xi32>,
        tpu.vector_store_idx %arg12[%get3A_201], %broadcast_in_dim3A_45 {add = true} : memref<10240xf32, #tpu.memory_space<vmem>>[vector<16xi32>], vector<16xf32>,
        %get3A_202 = arith.constant 0 : i32
        %get3A_203 = arith.constant 0 : i32
        %get3A_204 = tpu.memref_slice %arg9[%select_n3A_62, %get3A_202, %get3A_203] : memref<2x25x80xi32, #tpu.memory_space<vmem>> -> memref<1x25x80xi32, #tpu.memory_space<vmem>>
        %get3A_205 = tpu.memref_squeeze %get3A_204 : memref<1x25x80xi32, #tpu.memory_space<vmem>> -> memref<25x80xi32, #tpu.memory_space<vmem>>
        %get3A_206 = arith.index_cast %mul3A_168 : i32 to index
        %get3A_207 = arith.constant 48 : index
        %get3A_208 = tpu.vector_load %get3A_205[%get3A_206, %get3A_207] {strides = array<i32>} : memref<25x80xi32, #tpu.memory_space<vmem>>, vector<16xi32>,
        tpu.vector_store_idx %arg12[%get3A_208], %broadcast_in_dim3A_45 {add = true} : memref<10240xf32, #tpu.memory_space<vmem>>[vector<16xi32>], vector<16xf32>,
        %get3A_209 = arith.constant 0 : i32
        %get3A_210 = arith.constant 0 : i32
        %get3A_211 = tpu.memref_slice %arg9[%select_n3A_62, %get3A_209, %get3A_210] : memref<2x25x80xi32, #tpu.memory_space<vmem>> -> memref<1x25x80xi32, #tpu.memory_space<vmem>>
        %get3A_212 = tpu.memref_squeeze %get3A_211 : memref<1x25x80xi32, #tpu.memory_space<vmem>> -> memref<25x80xi32, #tpu.memory_space<vmem>>
        %get3A_213 = arith.index_cast %mul3A_168 : i32 to index
        %get3A_214 = arith.constant 64 : index
        %get3A_215 = tpu.vector_load %get3A_212[%get3A_213, %get3A_214] {strides = array<i32>} : memref<25x80xi32, #tpu.memory_space<vmem>>, vector<16xi32>,
        tpu.vector_store_idx %arg12[%get3A_215], %broadcast_in_dim3A_45 {add = true} : memref<10240xf32, #tpu.memory_space<vmem>>[vector<16xi32>], vector<16xf32>,
        %dma_wait3A_216 = arith.constant 0 : i32
        %dma_wait3A_217 = arith.constant 0 : i32
        %dma_wait3A_218 = tpu.memref_slice %arg8[%select_n3A_62, %dma_wait3A_216, %dma_wait3A_217] : memref<2x25x80xi32, #tpu.memory_space<vmem>> -> memref<1x25x80xi32, #tpu.memory_space<vmem>>
        %dma_wait3A_219 = tpu.memref_squeeze %dma_wait3A_218 : memref<1x25x80xi32, #tpu.memory_space<vmem>> -> memref<25x80xi32, #tpu.memory_space<vmem>>
        %dma_wait3A_220 = arith.constant 0 : i32
        %dma_wait3A_221 = tpu.memref_slice %dma_wait3A_219[%mul3A_168, %dma_wait3A_220] : memref<25x80xi32, #tpu.memory_space<vmem>> -> memref<1x80xi32, #tpu.memory_space<vmem>>
        %dma_wait3A_222 = tpu.memref_squeeze %dma_wait3A_221 : memref<1x80xi32, #tpu.memory_space<vmem>> -> memref<80xi32, #tpu.memory_space<vmem>>
        %dma_wait3A_223 = arith.constant 0 : i32
        %dma_wait3A_224 = arith.constant 0 : i32
        %dma_wait3A_225 = tpu.memref_slice %arg2[%dma_wait3A_223, %dma_wait3A_224] : memref<10000x128xbf16, #tpu.memory_space<hbm>> -> memref<10000x128xbf16, #tpu.memory_space<hbm>>
        tpu.wait_indirect_dma semaphore(%arg13 : memref<!tpu.dma_semaphore, #tpu.memory_space<semaphore_mem>>) src(%dma_wait3A_225 : memref<10000x128xbf16, #tpu.memory_space<hbm>>) dst(%arg10 : memref<80x128xbf16, #tpu.memory_space<vmem>>)
        "tpu.region"() ({
          %run_scoped3A_289 = tpu.sem_alloc : memref<!tpu.dma_semaphore, #tpu.memory_space<semaphore_mem>>
          %dma_start3A_290 = arith.constant 0 : i32
          %dma_start3A_291 = arith.constant 0 : i32
          %dma_start3A_292 = tpu.memref_slice %arg9[%select_n3A_62, %dma_start3A_290, %dma_start3A_291] : memref<2x25x80xi32, #tpu.memory_space<vmem>> -> memref<1x25x80xi32, #tpu.memory_space<vmem>>
          %dma_start3A_293 = tpu.memref_squeeze %dma_start3A_292 : memref<1x25x80xi32, #tpu.memory_space<vmem>> -> memref<25x80xi32, #tpu.memory_space<vmem>>
          %dma_start3A_294 = arith.constant 0 : i32
          %dma_start3A_295 = tpu.memref_slice %dma_start3A_293[%mul3A_168, %dma_start3A_294] : memref<25x80xi32, #tpu.memory_space<vmem>> -> memref<1x80xi32, #tpu.memory_space<vmem>>
          %dma_start3A_296 = tpu.memref_squeeze %dma_start3A_295 : memref<1x80xi32, #tpu.memory_space<vmem>> -> memref<80xi32, #tpu.memory_space<vmem>>
          %dma_start3A_297 = arith.constant 0 : i32
          %dma_start3A_298 = arith.constant 0 : i32
          %dma_start3A_299 = tpu.memref_slice %arg16[%dma_start3A_297, %dma_start3A_298] : memref<10240x128xbf16, #tpu.memory_space<vmem_shared>> -> memref<10240x128xbf16, #tpu.memory_space<vmem_shared>>
          tpu.enqueue_indirect_dma source(%arg10 : memref<80x128xbf16, #tpu.memory_space<vmem>>) target(%dma_start3A_299 : memref<10240x128xbf16, #tpu.memory_space<vmem_shared>>) offsets(%dma_start3A_296 : memref<80xi32, #tpu.memory_space<vmem>>) semaphore(%run_scoped3A_289 : memref<!tpu.dma_semaphore, #tpu.memory_space<semaphore_mem>>) {add = true}
          %dma_wait3A_300 = arith.constant 0 : i32
          %dma_wait3A_301 = arith.constant 0 : i32
          %dma_wait3A_302 = tpu.memref_slice %arg9[%select_n3A_62, %dma_wait3A_300, %dma_wait3A_301] : memref<2x25x80xi32, #tpu.memory_space<vmem>> -> memref<1x25x80xi32, #tpu.memory_space<vmem>>
          %dma_wait3A_303 = tpu.memref_squeeze %dma_wait3A_302 : memref<1x25x80xi32, #tpu.memory_space<vmem>> -> memref<25x80xi32, #tpu.memory_space<vmem>>
          %dma_wait3A_304 = arith.constant 0 : i32
          %dma_wait3A_305 = tpu.memref_slice %dma_wait3A_303[%mul3A_168, %dma_wait3A_304] : memref<25x80xi32, #tpu.memory_space<vmem>> -> memref<1x80xi32, #tpu.memory_space<vmem>>
          %dma_wait3A_306 = tpu.memref_squeeze %dma_wait3A_305 : memref<1x80xi32, #tpu.memory_space<vmem>> -> memref<80xi32, #tpu.memory_space<vmem>>
          %dma_wait3A_307 = arith.constant 0 : i32
          %dma_wait3A_308 = arith.constant 0 : i32
          %dma_wait3A_309 = tpu.memref_slice %arg16[%dma_wait3A_307, %dma_wait3A_308] : memref<10240x128xbf16, #tpu.memory_space<vmem_shared>> -> memref<10240x128xbf16, #tpu.memory_space<vmem_shared>>
          tpu.wait_indirect_dma semaphore(%run_scoped3A_289 : memref<!tpu.dma_semaphore, #tpu.memory_space<semaphore_mem>>) src(%arg10 : memref<80x128xbf16, #tpu.memory_space<vmem>>) dst(%dma_wait3A_309 : memref<10240x128xbf16, #tpu.memory_space<vmem_shared>>)
          tpu.yield
        }) : () -> ()
        %add3A_226 = arith.constant 2 : i32
        %add3A_227 = arith.addi %mul3A_168, %add3A_226 : i32
        %dma_start3A_228 = arith.constant 0 : i32
        %dma_start3A_229 = arith.constant 0 : i32
        %dma_start3A_230 = tpu.memref_slice %arg8[%select_n3A_62, %dma_start3A_228, %dma_start3A_229] : memref<2x25x80xi32, #tpu.memory_space<vmem>> -> memref<1x25x80xi32, #tpu.memory_space<vmem>>
        %dma_start3A_231 = tpu.memref_squeeze %dma_start3A_230 : memref<1x25x80xi32, #tpu.memory_space<vmem>> -> memref<25x80xi32, #tpu.memory_space<vmem>>
        %dma_start3A_232 = arith.constant 0 : i32
        %dma_start3A_233 = tpu.memref_slice %dma_start3A_231[%add3A_227, %dma_start3A_232] : memref<25x80xi32, #tpu.memory_space<vmem>> -> memref<1x80xi32, #tpu.memory_space<vmem>>
        %dma_start3A_234 = tpu.memref_squeeze %dma_start3A_233 : memref<1x80xi32, #tpu.memory_space<vmem>> -> memref<80xi32, #tpu.memory_space<vmem>>
        %dma_start3A_235 = arith.constant 0 : i32
        %dma_start3A_236 = arith.constant 0 : i32
        %dma_start3A_237 = tpu.memref_slice %arg2[%dma_start3A_235, %dma_start3A_236] : memref<10000x128xbf16, #tpu.memory_space<hbm>> -> memref<10000x128xbf16, #tpu.memory_space<hbm>>
        tpu.enqueue_indirect_dma source(%dma_start3A_237 : memref<10000x128xbf16, #tpu.memory_space<hbm>>) target(%arg10 : memref<80x128xbf16, #tpu.memory_space<vmem>>) offsets(%dma_start3A_234 : memref<80xi32, #tpu.memory_space<vmem>>) semaphore(%arg13 : memref<!tpu.dma_semaphore, #tpu.memory_space<semaphore_mem>>)
        %add3A_238 = arith.constant 1 : i32
        %add3A_239 = arith.addi %mul3A_168, %add3A_238 : i32
        %get3A_240 = arith.constant 0 : i32
        %get3A_241 = arith.constant 0 : i32
        %get3A_242 = tpu.memref_slice %arg9[%select_n3A_62, %get3A_240, %get3A_241] : memref<2x25x80xi32, #tpu.memory_space<vmem>> -> memref<1x25x80xi32, #tpu.memory_space<vmem>>
        %get3A_243 = tpu.memref_squeeze %get3A_242 : memref<1x25x80xi32, #tpu.memory_space<vmem>> -> memref<25x80xi32, #tpu.memory_space<vmem>>
        %get3A_244 = arith.index_cast %add3A_239 : i32 to index
        %get3A_245 = arith.constant 0 : index
        %get3A_246 = tpu.vector_load %get3A_243[%get3A_244, %get3A_245] {strides = array<i32>} : memref<25x80xi32, #tpu.memory_space<vmem>>, vector<16xi32>,
        tpu.vector_store_idx %arg12[%get3A_246], %broadcast_in_dim3A_45 {add = true} : memref<10240xf32, #tpu.memory_space<vmem>>[vector<16xi32>], vector<16xf32>,
        %get3A_247 = arith.constant 0 : i32
        %get3A_248 = arith.constant 0 : i32
        %get3A_249 = tpu.memref_slice %arg9[%select_n3A_62, %get3A_247, %get3A_248] : memref<2x25x80xi32, #tpu.memory_space<vmem>> -> memref<1x25x80xi32, #tpu.memory_space<vmem>>
        %get3A_250 = tpu.memref_squeeze %get3A_249 : memref<1x25x80xi32, #tpu.memory_space<vmem>> -> memref<25x80xi32, #tpu.memory_space<vmem>>
        %get3A_251 = arith.index_cast %add3A_239 : i32 to index
        %get3A_252 = arith.constant 16 : index
        %get3A_253 = tpu.vector_load %get3A_250[%get3A_251, %get3A_252] {strides = array<i32>} : memref<25x80xi32, #tpu.memory_space<vmem>>, vector<16xi32>,
        tpu.vector_store_idx %arg12[%get3A_253], %broadcast_in_dim3A_45 {add = true} : memref<10240xf32, #tpu.memory_space<vmem>>[vector<16xi32>], vector<16xf32>,
        %get3A_254 = arith.constant 0 : i32
        %get3A_255 = arith.constant 0 : i32
        %get3A_256 = tpu.memref_slice %arg9[%select_n3A_62, %get3A_254, %get3A_255] : memref<2x25x80xi32, #tpu.memory_space<vmem>> -> memref<1x25x80xi32, #tpu.memory_space<vmem>>
        %get3A_257 = tpu.memref_squeeze %get3A_256 : memref<1x25x80xi32, #tpu.memory_space<vmem>> -> memref<25x80xi32, #tpu.memory_space<vmem>>
        %get3A_258 = arith.index_cast %add3A_239 : i32 to index
        %get3A_259 = arith.constant 32 : index
        %get3A_260 = tpu.vector_load %get3A_257[%get3A_258, %get3A_259] {strides = array<i32>} : memref<25x80xi32, #tpu.memory_space<vmem>>, vector<16xi32>,
        tpu.vector_store_idx %arg12[%get3A_260], %broadcast_in_dim3A_45 {add = true} : memref<10240xf32, #tpu.memory_space<vmem>>[vector<16xi32>], vector<16xf32>,
        %get3A_261 = arith.constant 0 : i32
        %get3A_262 = arith.constant 0 : i32
        %get3A_263 = tpu.memref_slice %arg9[%select_n3A_62, %get3A_261, %get3A_262] : memref<2x25x80xi32, #tpu.memory_space<vmem>> -> memref<1x25x80xi32, #tpu.memory_space<vmem>>
        %get3A_264 = tpu.memref_squeeze %get3A_263 : memref<1x25x80xi32, #tpu.memory_space<vmem>> -> memref<25x80xi32, #tpu.memory_space<vmem>>
        %get3A_265 = arith.index_cast %add3A_239 : i32 to index
        %get3A_266 = arith.constant 48 : index
        %get3A_267 = tpu.vector_load %get3A_264[%get3A_265, %get3A_266] {strides = array<i32>} : memref<25x80xi32, #tpu.memory_space<vmem>>, vector<16xi32>,
        tpu.vector_store_idx %arg12[%get3A_267], %broadcast_in_dim3A_45 {add = true} : memref<10240xf32, #tpu.memory_space<vmem>>[vector<16xi32>], vector<16xf32>,
        %get3A_268 = arith.constant 0 : i32
        %get3A_269 = arith.constant 0 : i32
        %get3A_270 = tpu.memref_slice %arg9[%select_n3A_62, %get3A_268, %get3A_269] : memref<2x25x80xi32, #tpu.memory_space<vmem>> -> memref<1x25x80xi32, #tpu.memory_space<vmem>>
        %get3A_271 = tpu.memref_squeeze %get3A_270 : memref<1x25x80xi32, #tpu.memory_space<vmem>> -> memref<25x80xi32, #tpu.memory_space<vmem>>
        %get3A_272 = arith.index_cast %add3A_239 : i32 to index
        %get3A_273 = arith.constant 64 : index
        %get3A_274 = tpu.vector_load %get3A_271[%get3A_272, %get3A_273] {strides = array<i32>} : memref<25x80xi32, #tpu.memory_space<vmem>>, vector<16xi32>,
        tpu.vector_store_idx %arg12[%get3A_274], %broadcast_in_dim3A_45 {add = true} : memref<10240xf32, #tpu.memory_space<vmem>>[vector<16xi32>], vector<16xf32>,
        %add3A_275 = arith.constant 1 : i32
        %add3A_276 = arith.addi %mul3A_168, %add3A_275 : i32
        %dma_wait3A_277 = arith.constant 0 : i32
        %dma_wait3A_278 = arith.constant 0 : i32
        %dma_wait3A_279 = tpu.memref_slice %arg8[%select_n3A_62, %dma_wait3A_277, %dma_wait3A_278] : memref<2x25x80xi32, #tpu.memory_space<vmem>> -> memref<1x25x80xi32, #tpu.memory_space<vmem>>
        %dma_wait3A_280 = tpu.memref_squeeze %dma_wait3A_279 : memref<1x25x80xi32, #tpu.memory_space<vmem>> -> memref<25x80xi32, #tpu.memory_space<vmem>>
        %dma_wait3A_281 = arith.constant 0 : i32
        %dma_wait3A_282 = tpu.memref_slice %dma_wait3A_280[%add3A_276, %dma_wait3A_281] : memref<25x80xi32, #tpu.memory_space<vmem>> -> memref<1x80xi32, #tpu.memory_space<vmem>>
        %dma_wait3A_283 = tpu.memref_squeeze %dma_wait3A_282 : memref<1x80xi32, #tpu.memory_space<vmem>> -> memref<80xi32, #tpu.memory_space<vmem>>
        %dma_wait3A_284 = arith.constant 0 : i32
        %dma_wait3A_285 = arith.constant 0 : i32
        %dma_wait3A_286 = tpu.memref_slice %arg2[%dma_wait3A_284, %dma_wait3A_285] : memref<10000x128xbf16, #tpu.memory_space<hbm>> -> memref<10000x128xbf16, #tpu.memory_space<hbm>>
        tpu.wait_indirect_dma semaphore(%arg14 : memref<!tpu.dma_semaphore, #tpu.memory_space<semaphore_mem>>) src(%dma_wait3A_286 : memref<10000x128xbf16, #tpu.memory_space<hbm>>) dst(%arg11 : memref<80x128xbf16, #tpu.memory_space<vmem>>)
        %add3A_287 = arith.constant 1 : i32
        %add3A_288 = arith.addi %mul3A_168, %add3A_287 : i32
        "tpu.region"() ({
          %run_scoped3A_289 = tpu.sem_alloc : memref<!tpu.dma_semaphore, #tpu.memory_space<semaphore_mem>>
          %dma_start3A_290 = arith.constant 0 : i32
          %dma_start3A_291 = arith.constant 0 : i32
          %dma_start3A_292 = tpu.memref_slice %arg9[%select_n3A_62, %dma_start3A_290, %dma_start3A_291] : memref<2x25x80xi32, #tpu.memory_space<vmem>> -> memref<1x25x80xi32, #tpu.memory_space<vmem>>
          %dma_start3A_293 = tpu.memref_squeeze %dma_start3A_292 : memref<1x25x80xi32, #tpu.memory_space<vmem>> -> memref<25x80xi32, #tpu.memory_space<vmem>>
          %dma_start3A_294 = arith.constant 0 : i32
          %dma_start3A_295 = tpu.memref_slice %dma_start3A_293[%add3A_288, %dma_start3A_294] : memref<25x80xi32, #tpu.memory_space<vmem>> -> memref<1x80xi32, #tpu.memory_space<vmem>>
          %dma_start3A_296 = tpu.memref_squeeze %dma_start3A_295 : memref<1x80xi32, #tpu.memory_space<vmem>> -> memref<80xi32, #tpu.memory_space<vmem>>
          %dma_start3A_297 = arith.constant 0 : i32
          %dma_start3A_298 = arith.constant 0 : i32
          %dma_start3A_299 = tpu.memref_slice %arg16[%dma_start3A_297, %dma_start3A_298] : memref<10240x128xbf16, #tpu.memory_space<vmem_shared>> -> memref<10240x128xbf16, #tpu.memory_space<vmem_shared>>
          tpu.enqueue_indirect_dma source(%arg11 : memref<80x128xbf16, #tpu.memory_space<vmem>>) target(%dma_start3A_299 : memref<10240x128xbf16, #tpu.memory_space<vmem_shared>>) offsets(%dma_start3A_296 : memref<80xi32, #tpu.memory_space<vmem>>) semaphore(%run_scoped3A_289 : memref<!tpu.dma_semaphore, #tpu.memory_space<semaphore_mem>>) {add = true}
          %dma_wait3A_300 = arith.constant 0 : i32
          %dma_wait3A_301 = arith.constant 0 : i32
          %dma_wait3A_302 = tpu.memref_slice %arg9[%select_n3A_62, %dma_wait3A_300, %dma_wait3A_301] : memref<2x25x80xi32, #tpu.memory_space<vmem>> -> memref<1x25x80xi32, #tpu.memory_space<vmem>>
          %dma_wait3A_303 = tpu.memref_squeeze %dma_wait3A_302 : memref<1x25x80xi32, #tpu.memory_space<vmem>> -> memref<25x80xi32, #tpu.memory_space<vmem>>
          %dma_wait3A_304 = arith.constant 0 : i32
          %dma_wait3A_305 = tpu.memref_slice %dma_wait3A_303[%add3A_288, %dma_wait3A_304] : memref<25x80xi32, #tpu.memory_space<vmem>> -> memref<1x80xi32, #tpu.memory_space<vmem>>
          %dma_wait3A_306 = tpu.memref_squeeze %dma_wait3A_305 : memref<1x80xi32, #tpu.memory_space<vmem>> -> memref<80xi32, #tpu.memory_space<vmem>>
          %dma_wait3A_307 = arith.constant 0 : i32
          %dma_wait3A_308 = arith.constant 0 : i32
          %dma_wait3A_309 = tpu.memref_slice %arg16[%dma_wait3A_307, %dma_wait3A_308] : memref<10240x128xbf16, #tpu.memory_space<vmem_shared>> -> memref<10240x128xbf16, #tpu.memory_space<vmem_shared>>
          tpu.wait_indirect_dma semaphore(%run_scoped3A_289 : memref<!tpu.dma_semaphore, #tpu.memory_space<semaphore_mem>>) src(%arg11 : memref<80x128xbf16, #tpu.memory_space<vmem>>) dst(%dma_wait3A_309 : memref<10240x128xbf16, #tpu.memory_space<vmem_shared>>)
          tpu.yield
        }) : () -> ()
      }
      %scan3A_115 = arith.constant 12 : i32
      %get3A = arith.constant 24 : i32
      %get3A_116 = arith.constant 0 : i32
      %get3A_117 = arith.constant 0 : i32
      %get3A_118 = tpu.memref_slice %arg9[%select_n3A_62, %get3A_116, %get3A_117] : memref<2x25x80xi32, #tpu.memory_space<vmem>> -> memref<1x25x80xi32, #tpu.memory_space<vmem>>
      %get3A_119 = tpu.memref_squeeze %get3A_118 : memref<1x25x80xi32, #tpu.memory_space<vmem>> -> memref<25x80xi32, #tpu.memory_space<vmem>>
      %get3A_120 = arith.index_cast %get3A : i32 to index
      %get3A_121 = arith.constant 0 : index
      %get3A_122 = tpu.vector_load %get3A_119[%get3A_120, %get3A_121] {strides = array<i32>} : memref<25x80xi32, #tpu.memory_space<vmem>>, vector<16xi32>,
      tpu.vector_store_idx %arg12[%get3A_122], %broadcast_in_dim3A_45 {add = true} : memref<10240xf32, #tpu.memory_space<vmem>>[vector<16xi32>], vector<16xf32>,
      %get3A_123 = arith.constant 24 : i32
      %get3A_124 = arith.constant 0 : i32
      %get3A_125 = arith.constant 0 : i32
      %get3A_126 = tpu.memref_slice %arg9[%select_n3A_62, %get3A_124, %get3A_125] : memref<2x25x80xi32, #tpu.memory_space<vmem>> -> memref<1x25x80xi32, #tpu.memory_space<vmem>>
      %get3A_127 = tpu.memref_squeeze %get3A_126 : memref<1x25x80xi32, #tpu.memory_space<vmem>> -> memref<25x80xi32, #tpu.memory_space<vmem>>
      %get3A_128 = arith.index_cast %get3A_123 : i32 to index
      %get3A_129 = arith.constant 16 : index
      %get3A_130 = tpu.vector_load %get3A_127[%get3A_128, %get3A_129] {strides = array<i32>} : memref<25x80xi32, #tpu.memory_space<vmem>>, vector<16xi32>,
      tpu.vector_store_idx %arg12[%get3A_130], %broadcast_in_dim3A_45 {add = true} : memref<10240xf32, #tpu.memory_space<vmem>>[vector<16xi32>], vector<16xf32>,
      %get3A_131 = arith.constant 24 : i32
      %get3A_132 = arith.constant 0 : i32
      %get3A_133 = arith.constant 0 : i32
      %get3A_134 = tpu.memref_slice %arg9[%select_n3A_62, %get3A_132, %get3A_133] : memref<2x25x80xi32, #tpu.memory_space<vmem>> -> memref<1x25x80xi32, #tpu.memory_space<vmem>>
      %get3A_135 = tpu.memref_squeeze %get3A_134 : memref<1x25x80xi32, #tpu.memory_space<vmem>> -> memref<25x80xi32, #tpu.memory_space<vmem>>
      %get3A_136 = arith.index_cast %get3A_131 : i32 to index
      %get3A_137 = arith.constant 32 : index
      %get3A_138 = tpu.vector_load %get3A_135[%get3A_136, %get3A_137] {strides = array<i32>} : memref<25x80xi32, #tpu.memory_space<vmem>>, vector<16xi32>,
      tpu.vector_store_idx %arg12[%get3A_138], %broadcast_in_dim3A_45 {add = true} : memref<10240xf32, #tpu.memory_space<vmem>>[vector<16xi32>], vector<16xf32>,
      %get3A_139 = arith.constant 24 : i32
      %get3A_140 = arith.constant 0 : i32
      %get3A_141 = arith.constant 0 : i32
      %get3A_142 = tpu.memref_slice %arg9[%select_n3A_62, %get3A_140, %get3A_141] : memref<2x25x80xi32, #tpu.memory_space<vmem>> -> memref<1x25x80xi32, #tpu.memory_space<vmem>>
      %get3A_143 = tpu.memref_squeeze %get3A_142 : memref<1x25x80xi32, #tpu.memory_space<vmem>> -> memref<25x80xi32, #tpu.memory_space<vmem>>
      %get3A_144 = arith.index_cast %get3A_139 : i32 to index
      %get3A_145 = arith.constant 48 : index
      %get3A_146 = tpu.vector_load %get3A_143[%get3A_144, %get3A_145] {strides = array<i32>} : memref<25x80xi32, #tpu.memory_space<vmem>>, vector<16xi32>,
      tpu.vector_store_idx %arg12[%get3A_146], %broadcast_in_dim3A_45 {add = true} : memref<10240xf32, #tpu.memory_space<vmem>>[vector<16xi32>], vector<16xf32>,
      %get3A_147 = arith.constant 24 : i32
      %get3A_148 = arith.constant 0 : i32
      %get3A_149 = arith.constant 0 : i32
      %get3A_150 = tpu.memref_slice %arg9[%select_n3A_62, %get3A_148, %get3A_149] : memref<2x25x80xi32, #tpu.memory_space<vmem>> -> memref<1x25x80xi32, #tpu.memory_space<vmem>>
      %get3A_151 = tpu.memref_squeeze %get3A_150 : memref<1x25x80xi32, #tpu.memory_space<vmem>> -> memref<25x80xi32, #tpu.memory_space<vmem>>
      %get3A_152 = arith.index_cast %get3A_147 : i32 to index
      %get3A_153 = arith.constant 64 : index
      %get3A_154 = tpu.vector_load %get3A_151[%get3A_152, %get3A_153] {strides = array<i32>} : memref<25x80xi32, #tpu.memory_space<vmem>>, vector<16xi32>,
      tpu.vector_store_idx %arg12[%get3A_154], %broadcast_in_dim3A_45 {add = true} : memref<10240xf32, #tpu.memory_space<vmem>>[vector<16xi32>], vector<16xf32>,
      %dma_wait3A_155 = arith.constant 24 : i32
      %dma_wait3A_156 = arith.constant 0 : i32
      %dma_wait3A_157 = arith.constant 0 : i32
      %dma_wait3A_158 = tpu.memref_slice %arg8[%select_n3A_62, %dma_wait3A_156, %dma_wait3A_157] : memref<2x25x80xi32, #tpu.memory_space<vmem>> -> memref<1x25x80xi32, #tpu.memory_space<vmem>>
      %dma_wait3A_159 = tpu.memref_squeeze %dma_wait3A_158 : memref<1x25x80xi32, #tpu.memory_space<vmem>> -> memref<25x80xi32, #tpu.memory_space<vmem>>
      %dma_wait3A_160 = arith.constant 0 : i32
      %dma_wait3A_161 = tpu.memref_slice %dma_wait3A_159[%dma_wait3A_155, %dma_wait3A_160] : memref<25x80xi32, #tpu.memory_space<vmem>> -> memref<1x80xi32, #tpu.memory_space<vmem>>
      %dma_wait3A_162 = tpu.memref_squeeze %dma_wait3A_161 : memref<1x80xi32, #tpu.memory_space<vmem>> -> memref<80xi32, #tpu.memory_space<vmem>>
      %dma_wait3A_163 = arith.constant 0 : i32
      %dma_wait3A_164 = arith.constant 0 : i32
      %dma_wait3A_165 = tpu.memref_slice %arg2[%dma_wait3A_163, %dma_wait3A_164] : memref<10000x128xbf16, #tpu.memory_space<hbm>> -> memref<10000x128xbf16, #tpu.memory_space<hbm>>
      tpu.wait_indirect_dma semaphore(%arg13 : memref<!tpu.dma_semaphore, #tpu.memory_space<semaphore_mem>>) src(%dma_wait3A_165 : memref<10000x128xbf16, #tpu.memory_space<hbm>>) dst(%arg10 : memref<80x128xbf16, #tpu.memory_space<vmem>>)
      %run_scoped3A = arith.constant 24 : i32
      "tpu.region"() ({
        %run_scoped3A_166 = tpu.sem_alloc : memref<!tpu.dma_semaphore, #tpu.memory_space<semaphore_mem>>
        %dma_start3A_167 = arith.constant 0 : i32
        %dma_start3A_168 = arith.constant 0 : i32
        %dma_start3A_169 = tpu.memref_slice %arg9[%select_n3A_62, %dma_start3A_167, %dma_start3A_168] : memref<2x25x80xi32, #tpu.memory_space<vmem>> -> memref<1x25x80xi32, #tpu.memory_space<vmem>>
        %dma_start3A_170 = tpu.memref_squeeze %dma_start3A_169 : memref<1x25x80xi32, #tpu.memory_space<vmem>> -> memref<25x80xi32, #tpu.memory_space<vmem>>
        %dma_start3A_171 = arith.constant 0 : i32
        %dma_start3A_172 = tpu.memref_slice %dma_start3A_170[%run_scoped3A, %dma_start3A_171] : memref<25x80xi32, #tpu.memory_space<vmem>> -> memref<1x80xi32, #tpu.memory_space<vmem>>
        %dma_start3A_173 = tpu.memref_squeeze %dma_start3A_172 : memref<1x80xi32, #tpu.memory_space<vmem>> -> memref<80xi32, #tpu.memory_space<vmem>>
        %dma_start3A_174 = arith.constant 0 : i32
        %dma_start3A_175 = arith.constant 0 : i32
        %dma_start3A_176 = tpu.memref_slice %arg16[%dma_start3A_174, %dma_start3A_175] : memref<10240x128xbf16, #tpu.memory_space<vmem_shared>> -> memref<10240x128xbf16, #tpu.memory_space<vmem_shared>>
        tpu.enqueue_indirect_dma source(%arg10 : memref<80x128xbf16, #tpu.memory_space<vmem>>) target(%dma_start3A_176 : memref<10240x128xbf16, #tpu.memory_space<vmem_shared>>) offsets(%dma_start3A_173 : memref<80xi32, #tpu.memory_space<vmem>>) semaphore(%run_scoped3A_166 : memref<!tpu.dma_semaphore, #tpu.memory_space<semaphore_mem>>) {add = true}
        %dma_wait3A_177 = arith.constant 0 : i32
        %dma_wait3A_178 = arith.constant 0 : i32
        %dma_wait3A_179 = tpu.memref_slice %arg9[%select_n3A_62, %dma_wait3A_177, %dma_wait3A_178] : memref<2x25x80xi32, #tpu.memory_space<vmem>> -> memref<1x25x80xi32, #tpu.memory_space<vmem>>
        %dma_wait3A_180 = tpu.memref_squeeze %dma_wait3A_179 : memref<1x25x80xi32, #tpu.memory_space<vmem>> -> memref<25x80xi32, #tpu.memory_space<vmem>>
        %dma_wait3A_181 = arith.constant 0 : i32
        %dma_wait3A_182 = tpu.memref_slice %dma_wait3A_180[%run_scoped3A, %dma_wait3A_181] : memref<25x80xi32, #tpu.memory_space<vmem>> -> memref<1x80xi32, #tpu.memory_space<vmem>>
        %dma_wait3A_183 = tpu.memref_squeeze %dma_wait3A_182 : memref<1x80xi32, #tpu.memory_space<vmem>> -> memref<80xi32, #tpu.memory_space<vmem>>
        %dma_wait3A_184 = arith.constant 0 : i32
        %dma_wait3A_185 = arith.constant 0 : i32
        %dma_wait3A_186 = tpu.memref_slice %arg16[%dma_wait3A_184, %dma_wait3A_185] : memref<10240x128xbf16, #tpu.memory_space<vmem_shared>> -> memref<10240x128xbf16, #tpu.memory_space<vmem_shared>>
        tpu.wait_indirect_dma semaphore(%run_scoped3A_166 : memref<!tpu.dma_semaphore, #tpu.memory_space<semaphore_mem>>) src(%arg10 : memref<80x128xbf16, #tpu.memory_space<vmem>>) dst(%dma_wait3A_186 : memref<10240x128xbf16, #tpu.memory_space<vmem_shared>>)
        tpu.yield
      }) : () -> ()
    }
    %scan3A_51 = arith.constant 5 : i32
    "tpu.region"() ({
      %run_scoped3A = tpu.sem_alloc : memref<!tpu.dma_semaphore, #tpu.memory_space<semaphore_mem>>
      %dma_start3A_53 = arith.constant 0 : i32
      %dma_start3A_54 = tpu.memref_slice %arg7[%add3A, %dma_start3A_53] : memref<32x10240xf32, #tpu.memory_space<hbm>> -> memref<1x10240xf32, #tpu.memory_space<hbm>>
      %dma_start3A_55 = tpu.memref_squeeze %dma_start3A_54 : memref<1x10240xf32, #tpu.memory_space<hbm>> -> memref<10240xf32, #tpu.memory_space<hbm>>
      %dma_start3A_56 = arith.constant 0 : i32
      %dma_start3A_57 = tpu.memref_slice %arg7[%add3A, %dma_start3A_56] : memref<32x10240xf32, #tpu.memory_space<hbm>> -> memref<1x10240xf32, #tpu.memory_space<hbm>>
      %dma_start3A_58 = tpu.memref_squeeze %dma_start3A_57 : memref<1x10240xf32, #tpu.memory_space<hbm>> -> memref<10240xf32, #tpu.memory_space<hbm>>
      tpu.enqueue_dma source(%arg12 : memref<10240xf32, #tpu.memory_space<vmem>>) target(%dma_start3A_58 : memref<10240xf32, #tpu.memory_space<hbm>>) target_semaphore(%run_scoped3A : memref<!tpu.dma_semaphore, #tpu.memory_space<semaphore_mem>>)
      %dma_wait3A = arith.constant 0 : i32
      %dma_wait3A_59 = tpu.memref_slice %arg7[%add3A, %dma_wait3A] : memref<32x10240xf32, #tpu.memory_space<hbm>> -> memref<1x10240xf32, #tpu.memory_space<hbm>>
      %dma_wait3A_60 = tpu.memref_squeeze %dma_wait3A_59 : memref<1x10240xf32, #tpu.memory_space<hbm>> -> memref<10240xf32, #tpu.memory_space<hbm>>
      %dma_wait3A_61 = arith.constant 0 : i32
      %dma_wait3A_62 = tpu.memref_slice %arg7[%add3A, %dma_wait3A_61] : memref<32x10240xf32, #tpu.memory_space<hbm>> -> memref<1x10240xf32, #tpu.memory_space<hbm>>
      %dma_wait3A_63 = tpu.memref_squeeze %dma_wait3A_62 : memref<1x10240xf32, #tpu.memory_space<hbm>> -> memref<10240xf32, #tpu.memory_space<hbm>>
      tpu.wait_dma2 semaphore(%run_scoped3A : memref<!tpu.dma_semaphore, #tpu.memory_space<semaphore_mem>>) src(%arg12 : memref<10240xf32, #tpu.memory_space<vmem>>) dst(%dma_wait3A_63 : memref<10240xf32, #tpu.memory_space<hbm>>)
      tpu.yield
    }) : () -> ()
    %barrier3A_52 = arith.constant 0 : index
    tpu.barrier barrier_id(%barrier3A_52)
    "tpu.region"() ({
      %run_scoped3A = tpu.sem_alloc : memref<!tpu.dma_semaphore, #tpu.memory_space<semaphore_mem>>
      %dma_start3A_53 = arith.constant 0 : i32
      %dma_start3A_54 = tpu.memref_slice %arg6[%arg0, %mul3A_2, %dma_start3A_53] : memref<2x10240x128xbf16, #tpu.memory_space<hbm>> -> memref<1x640x128xbf16, #tpu.memory_space<hbm>>
      %dma_start3A_55 = tpu.memref_squeeze %dma_start3A_54 : memref<1x640x128xbf16, #tpu.memory_space<hbm>> -> memref<640x128xbf16, #tpu.memory_space<hbm>>
      %dma_start3A_56 = arith.constant 0 : i32
      %dma_start3A_57 = tpu.memref_slice %arg16[%mul3A_2, %dma_start3A_56] : memref<10240x128xbf16, #tpu.memory_space<vmem_shared>> -> memref<640x128xbf16, #tpu.memory_space<vmem_shared>>
      tpu.enqueue_dma source(%dma_start3A_57 : memref<640x128xbf16, #tpu.memory_space<vmem_shared>>) target(%dma_start3A_55 : memref<640x128xbf16, #tpu.memory_space<hbm>>) target_semaphore(%run_scoped3A : memref<!tpu.dma_semaphore, #tpu.memory_space<semaphore_mem>>)
      %dma_wait3A = arith.constant 0 : i32
      %dma_wait3A_58 = tpu.memref_slice %arg6[%arg0, %mul3A_2, %dma_wait3A] : memref<2x10240x128xbf16, #tpu.memory_space<hbm>> -> memref<1x640x128xbf16, #tpu.memory_space<hbm>>
      %dma_wait3A_59 = tpu.memref_squeeze %dma_wait3A_58 : memref<1x640x128xbf16, #tpu.memory_space<hbm>> -> memref<640x128xbf16, #tpu.memory_space<hbm>>
      %dma_wait3A_60 = arith.constant 0 : i32
      %dma_wait3A_61 = tpu.memref_slice %arg16[%mul3A_2, %dma_wait3A_60] : memref<10240x128xbf16, #tpu.memory_space<vmem_shared>> -> memref<640x128xbf16, #tpu.memory_space<vmem_shared>>
      tpu.wait_dma2 semaphore(%run_scoped3A : memref<!tpu.dma_semaphore, #tpu.memory_space<semaphore_mem>>) src(%dma_wait3A_61 : memref<640x128xbf16, #tpu.memory_space<vmem_shared>>) dst(%dma_wait3A_59 : memref<640x128xbf16, #tpu.memory_space<hbm>>)
      tpu.yield
    }) : () -> ()
    return
  }
}

module attributes {stable_mosaic.version = 14 : i64} {
  func.func @_tc_body(%arg0: memref<10000x128xf32, #tpu.memory_space<vmem>>, %arg1: memref<2x10240x128xbf16, #tpu.memory_space<vmem>>, %arg2: memref<32x10240xf32, #tpu.memory_space<vmem>>, %arg3: memref<128x128xf32, #tpu.memory_space<vmem>>, %arg4: memref<128x128xf32, #tpu.memory_space<vmem>>, %arg5: memref<1x128xf32, #tpu.memory_space<vmem>>, %arg6: memref<10000x128xf32, #tpu.memory_space<vmem>>) attributes {dimension_semantics = [], scalar_prefetch = 0 : i64, scratch_operands = 0 : i64, tpu.core_type = #tpu.core_type<tc>} {
    %get3A = arith.constant 0 : index
    %get3A_0 = arith.constant 0 : index
    %get3A_1 = arith.constant 0 : index
    %get3A_2 = vector.load %arg1[%get3A, %get3A_0, %get3A_1] : memref<2x10240x128xbf16, #tpu.memory_space<vmem>>, vector<1x10000x128xbf16>
    %get3A_3 = vector.shape_cast %get3A_2 : vector<1x10000x128xbf16> to vector<10000x128xbf16>
    %convert_element_type3A = arith.extf %get3A_3 : vector<10000x128xbf16> to vector<10000x128xf32>
    %get3A_4 = arith.constant 1 : index
    %get3A_5 = arith.constant 0 : index
    %get3A_6 = arith.constant 0 : index
    %get3A_7 = vector.load %arg1[%get3A_4, %get3A_5, %get3A_6] : memref<2x10240x128xbf16, #tpu.memory_space<vmem>>, vector<1x10000x128xbf16>
    %get3A_8 = vector.shape_cast %get3A_7 : vector<1x10000x128xbf16> to vector<10000x128xbf16>
    %convert_element_type3A_9 = arith.extf %get3A_8 : vector<10000x128xbf16> to vector<10000x128xf32>
    %add3A = arith.addf %convert_element_type3A, %convert_element_type3A_9 : vector<10000x128xf32>
    %get3A_10 = arith.constant 0 : index
    %get3A_11 = arith.constant 0 : index
    %get3A_12 = vector.load %arg2[%get3A_10, %get3A_11] : memref<32x10240xf32, #tpu.memory_space<vmem>>, vector<32x10240xf32>
    %reduce_sum3A = arith.constant dense<0.000000e+00> : vector<10240xf32>
    %reduce_sum3A_13 = vector.multi_reduction <add>, %get3A_12, %reduce_sum3A [0] : vector<32x10240xf32> to vector<10240xf32>
    %slice3A = vector.extract_strided_slice %reduce_sum3A_13 {offsets = [0], sizes = [10000], strides = [1]} : vector<10240xf32> to vector<10000xf32>
    %broadcast_in_dim3A = vector.shape_cast %slice3A : vector<10000xf32> to vector<10000x1xf32>
    %max3A = arith.constant 1.000000e+00 : f32
    %max3A_14 = vector.broadcast %max3A : f32 to vector<10000x1xf32>
    %max3A_15 = arith.maximumf %broadcast_in_dim3A, %max3A_14 : vector<10000x1xf32>
    %div3A = vector.broadcast %max3A_15 : vector<10000x1xf32> to vector<10000x128xf32>
    %div3A_16 = arith.divf %add3A, %div3A : vector<10000x128xf32>
    %get3A_17 = arith.constant 0 : index
    %get3A_18 = arith.constant 0 : index
    %get3A_19 = vector.load %arg0[%get3A_17, %get3A_18] : memref<10000x128xf32, #tpu.memory_space<vmem>>, vector<10000x128xf32>
    %get3A_20 = arith.constant 0 : index
    %get3A_21 = arith.constant 0 : index
    %get3A_22 = vector.load %arg3[%get3A_20, %get3A_21] : memref<128x128xf32, #tpu.memory_space<vmem>>, vector<128x128xf32>
    %dot_general3A = arith.constant dense<0.000000e+00> : vector<10000x128xf32>
    %dot_general3A_23 = tpu.matmul %get3A_19, %get3A_22, %dot_general3A {dimension_numbers = #tpu.dot_dimension_numbers<[1], [0], [0], [1], [0, 0, 1, 1], [], []>, transpose_lhs_hint = false} : vector<10000x128xf32>, vector<128x128xf32>, vector<10000x128xf32> -> vector<10000x128xf32>
    %get3A_24 = arith.constant 0 : index
    %get3A_25 = arith.constant 0 : index
    %get3A_26 = vector.load %arg4[%get3A_24, %get3A_25] : memref<128x128xf32, #tpu.memory_space<vmem>>, vector<128x128xf32>
    %dot_general3A_27 = arith.constant dense<0.000000e+00> : vector<10000x128xf32>
    %dot_general3A_28 = tpu.matmul %div3A_16, %get3A_26, %dot_general3A_27 {dimension_numbers = #tpu.dot_dimension_numbers<[1], [0], [0], [1], [0, 0, 1, 1], [], []>, transpose_lhs_hint = false} : vector<10000x128xf32>, vector<128x128xf32>, vector<10000x128xf32> -> vector<10000x128xf32>
    %add3A_29 = arith.addf %dot_general3A_23, %dot_general3A_28 : vector<10000x128xf32>
    %get3A_30 = arith.constant 0 : index
    %get3A_31 = arith.constant 0 : index
    %get3A_32 = vector.load %arg5[%get3A_30, %get3A_31] : memref<1x128xf32, #tpu.memory_space<vmem>>, vector<1x128xf32>
    %add3A_33 = vector.broadcast %get3A_32 : vector<1x128xf32> to vector<10000x128xf32>
    %add3A_34 = arith.addf %add3A_29, %add3A_33 : vector<10000x128xf32>
    %max3A_35 = arith.constant 0.000000e+00 : f32
    %max3A_36 = vector.broadcast %max3A_35 : f32 to vector<10000x128xf32>
    %max3A_37 = arith.maximumf %add3A_34, %max3A_36 : vector<10000x128xf32>
    %swap3A = arith.constant 0 : index
    %swap3A_38 = arith.constant 0 : index
    %swap3A_39 = vector.load %arg6[%swap3A, %swap3A_38] : memref<10000x128xf32, #tpu.memory_space<vmem>>, vector<10000x128xf32>
    tpu.vector_store %arg6[%swap3A, %swap3A_38], %max3A_37 {strides = array<i32>} : memref<10000x128xf32, #tpu.memory_space<vmem>>, vector<10000x128xf32>,
    return
  }
}

</mosaic_0001>

<sc_bundles>
// kernel: kernel.4.cloned.1.call-start
scs
__scs_entry_jumppad:
0x0: {  	(pc) =	sbr.rel $0x88, $3  }
0x1: {  	(tag) =	ssettag $0x0;
	lr =	simm.s32 $0x1  }
0x2: {  	[smem:$0x3F9C] =	sst lr;
	_ =	strace $0xD0000000  }
0x3: {  	_ = 	snop  }
0x4: {  	_ = 	snop  }
0x5: {  	_ = 	snop  }
0x6: {  	_ = 	snop  }
0x7: {  	_ = 	snop  }
__scs_overlays_trampoline_lowered:
0x8: {  	[smem:$0x3FAB] =	sst s0  }
0x9: {  	[smem:$0x3FAC] =	sst s1  }
0xa: {  	[smem:$0x3FAD] =	sst s2  }
0xb: {  	[smem:$0x3FAE] =	sst s3  }
0xc: {  	[smem:$0x3FAF] =	sst s4  }
0xd: {  	[smem:$0x3FB0] =	sst s5  }
0xe: {  	[smem:$0x3FB1] =	sst s6  }
0xf: {  	[smem:$0x3FB2] =	sst s7  }
0x10: {  	[smem:$0x3FB3] =	sst s8  }
0x11: {  	[smem:$0x3FB4] =	sst s9;
	s0 =	simm.s32 @!p0 $0x0  }
0x12: {  	s1 =	sld [smem:$0x3F9A];
	s0 =	simm.s32 @p0 $0x1  }
0x13: {  	[smem:$0x3FB5] =	sst s0;
	s0 =	simm.s32 @!p1 $0x0  }
0x14: {  	s2 =	sld [smem:$0x3F99];
	s0 =	simm.s32 @p1 $0x1  }
0x15: {  	[smem:$0x3FB6] =	sst s0;
	s0 =	simm.s32 @!p2 $0x0  }
0x16: {  	s3 =	sld [smem:$0x3FDB];
	s0 =	simm.s32 @p2 $0x1  }
0x17: {  	s4 =	simm.s32 $0x1BF5;
	[smem:$0x3FB8] =	sst s0  }
0x18: {  	s0 =	sld [smem:$0x3F9B];
	_ =	swait.ge [sflag:s4], $0x0  }
0x19: {  	s7 =	sld [smem:$0x3F9C]  }
0x1a: {  	s8 =	sadd.s32 $0xFFFFE003, lr  }
0x1b: {  	s9 =	sadd.s32 $0xFFFFFEF7, lr;
	s5 =	simm.s32 $0xFFFFFFFF;
	p2 =	slt.u32 s8, $0xFFFFF086  }
0x1c: {  	p1 =	slt.u32 s9, $0xF7A;
	s5 =	simm.s32 @!p2 $0x0  }
0x1d: {  	s5 =	simm.s32 @p1 $0x1;
	p0 =	seq.s32 s7, s2  }
0x1e: {  	s7 =	smul.u32 @!p0 $0xF7A, s2;
	p2 =	seq.s32 @!p0 s5, $0x0  }
0x1f: {  	s9 =	smul.u32 $0xF7A, s1;
	s8 =	simm.s32 @!p0 $0x1BF5;
	p2 =	por !p2, p0  }
0x20: {  	[sflag:s8] =	ssyncset.s32 @!p0 $0xFFFFF086;
	s6 =	sadd.s32 @!p0 s3, s7;
	s7 =	simm.s32 @!p0 $0x108  }
0x21: {  	s3 =	sadd.s32 s3, s9;
	s6 =	sadd.s32 @!p0 $0x88, s6;
	s7 =	simm.s32 @p2 $0x1082  }
0x22: {  	[simem:s7], [sflag:s8] =	dma.local @!p0 [hbm:s6], $0xF7A  }
0x23: {  	s9 =	sor.u32 $0xD0000000, s2;
	s6 =	simm.s32 $0x108;
	_ =	swait.ge @!p0 [sflag:s8], $0x0  }
0x24: {  	s3 =	sadd.s32 $0x88, s3;
	s6 =	simm.s32 @!p1 $0x1082;
	[sflag:s4] =	ssyncset.s32 $0xFFFFF086  }
0x25: {  	[simem:s6], [sflag:s4] =	dma.local [hbm:s3], $0xF7A  }
0x26: {  	[smem:$0x3F9C] =	sst s1;
	(tag) =	ssettag s2;
	_ =	strace s9  }
0x27: {  	s1 =	sld [smem:$0x3FAC]  }
0x28: {  	s2 =	sld [smem:$0x3FAD]  }
0x29: {  	s4 =	sld [smem:$0x3FAF]  }
0x2a: {  	p0 =	seq.s32 s5, $0x0;
	s5 =	sld [smem:$0x3FB0]  }
0x2b: {  	s6 =	sld [smem:$0x3FB1]  }
0x2c: {  	s7 =	sld [smem:$0x3FB2]  }
0x2d: {  	s3 =	simm.s32 $0x108;
	s8 =	sld [smem:$0x3FB3]  }
0x2e: {  	s3 =	simm.s32 @!p0 $0x1082;
	s9 =	sld [smem:$0x3FB4]  }
0x2f: {  	lr =	sadd.s32 s0, s3;
	s0 =	sld [smem:$0x3FAB]  }
0x30: {  	s3 =	sld [smem:$0x3FAE]  }
0x31: {  	[smem:$0x3FB7] =	sst s10  }
0x32: {  	s10 =	sld [smem:$0x3FB5];
	_ =	sdelay $0x3  }
0x33: {  	p0 =	seq.s32 s10, $0x1;
	s10 =	sld [smem:$0x3FB7];
	_ =	sdelay $0x3  }
0x34: {  	[smem:$0x3FB7] =	sst s10  }
0x35: {  	s10 =	sld [smem:$0x3FB6];
	_ =	sdelay $0x3  }
0x36: {  	p1 =	seq.s32 s10, $0x1;
	s10 =	sld [smem:$0x3FB7];
	_ =	sdelay $0x3  }
0x37: {  	[smem:$0x3FB7] =	sst s10  }
0x38: {  	s10 =	sld [smem:$0x3FB8]  }
0x39: {  	_ = 	snop;
	(pc) =	sbr.ind lr, $3  }
0x3a: {  	_ = 	snop  }
0x3b: {  	_ = 	snop  }
0x3c: {  	p2 =	seq.s32 s10, $0x1;
	s10 =	sld [smem:$0x3FB7]  }
0x3d: {  	_ =	shalt  }
0x3e: {  	_ =	shalt  }
0x3f: {  	_ =	shalt  }
0x40: {  	_ =	shalt  }
0x41: {  	_ =	shalt  }
0x42: {  	_ =	shalt  }
0x43: {  	_ =	shalt  }
0x44: {  	_ =	shalt  }
0x45: {  	_ =	shalt  }
0x46: {  	_ =	shalt  }
0x47: {  	_ =	shalt  }
0x48: {  	_ =	shalt  }
0x49: {  	_ =	shalt  }
0x4a: {  	_ =	shalt  }
0x4b: {  	_ =	shalt  }
0x4c: {  	_ =	shalt  }
0x4d: {  	_ =	shalt  }
0x4e: {  	_ =	shalt  }
0x4f: {  	_ =	shalt  }
0x50: {  	_ =	shalt  }
0x51: {  	_ =	shalt  }
0x52: {  	_ =	shalt  }
0x53: {  	_ =	shalt  }
0x54: {  	_ =	shalt  }
0x55: {  	_ =	shalt  }
0x56: {  	_ =	shalt  }
0x57: {  	_ =	shalt  }
0x58: {  	_ =	shalt  }
0x59: {  	_ =	shalt  }
0x5a: {  	_ =	shalt  }
0x5b: {  	_ =	shalt  }
0x5c: {  	_ =	shalt  }
0x5d: {  	_ =	shalt  }
0x5e: {  	_ =	shalt  }
0x5f: {  	_ =	shalt  }
0x60: {  	_ =	shalt  }
0x61: {  	_ =	shalt  }
0x62: {  	_ =	shalt  }
0x63: {  	_ =	shalt  }
0x64: {  	_ =	shalt  }
0x65: {  	_ =	shalt  }
0x66: {  	_ =	shalt  }
0x67: {  	_ =	shalt  }
0x68: {  	_ =	shalt  }
0x69: {  	_ =	shalt  }
0x6a: {  	_ =	shalt  }
0x6b: {  	_ =	shalt  }
0x6c: {  	_ =	shalt  }
0x6d: {  	_ =	shalt  }
0x6e: {  	_ =	shalt  }
0x6f: {  	_ =	shalt  }
0x70: {  	_ =	shalt  }
0x71: {  	_ =	shalt  }
0x72: {  	_ =	shalt  }
0x73: {  	_ =	shalt  }
0x74: {  	_ =	shalt  }
0x75: {  	_ =	shalt  }
0x76: {  	_ =	shalt  }
0x77: {  	_ =	shalt  }
0x78: {  	_ =	shalt  }
0x79: {  	_ =	shalt  }
0x7a: {  	_ =	shalt  }
0x7b: {  	_ =	shalt  }
0x7c: {  	_ =	shalt  }
0x7d: {  	_ =	shalt  }
0x7e: {  	_ =	shalt  }
0x7f: {  	_ =	shalt  }
0x80: {  	_ =	shalt  }
0x81: {  	_ =	shalt  }
0x82: {  	_ =	shalt  }
0x83: {  	_ =	shalt  }
0x84: {  	_ =	shalt  }
0x85: {  	_ =	shalt  }
0x86: {  	_ =	shalt  }
0x87: {  	_ =	shalt  }
.Lfunc_end0:
.L_simem_size_0:
called_computation_lowered:
.L_overlay_start_0:
0x88: {  	s2 =	sld [smem:$0x3FD9]  }
0x89: {  	s3 =	sld [smem:$0x3FFE];
	_ =	sdelay $0x1  }
0x8a: {  	s1 =	srdreg.scid  }
0x8b: {  	s0 =	sand.u32 $0x1, s1  }
0x8c: {  	s17 =	sshll.u32 s0, $0xA;
	s2 =	sadd.s32 s3, s2  }
0x8d: {  	s2 =	sadd.s32 s2, s17  }
0x8e: {  	[smem:$0x3FC3] =	sst s2  }
0x8f: {  	_ = 	snop  }
0x90: {  	s2 =	sld [smem:$0x3FD0];
	(tm) =	ssettm $0x1  }
0x91: {  	s18 =	sld [smem:$0x3FFB];
	_ =	sdelay $0x3  }
0x92: {  	_ =	strace s18  }
0x93: {  	s3 =	sld [smem:$0x3FFC];
	_ =	sdelay $0x3  }
0x94: {  	_ =	strace s3  }
0x95: {  	s3 =	sld [smem:$0x3FFD];
	_ =	sdelay $0x3  }
0x96: {  	_ =	strace s3  }
0x97: {  	_ =	strace $0x8FFFFFFF  }
0x98: {  	s19 =	sld [smem:$0x3FDB];
	_ =	sdelay $0x1  }
0x99: {  	s4 =	simm.s32 $_scs_section_size  }
0x9a: {  	s5 =	simm.s32 $_size__tile_overlayer_lowered;
	s6 =	simm.s32 $_tile_overlayer_lowered  }
0x9b: {  	s22 =	simm.s32 $0x1BFF;
	s21 =	sshll.u32 s6, $0x1;
	s3 =	sadd.s32 s4, s19  }
0x9c: {  	s7 =	simm.s32 $0x0;
	s20 =	sshll.u32 s5, $0x1;
	s5 =	sadd.s32 s21, s3  }
0x9d: {  	[timem:s7], [sflag:s22] =	dma.local [hbm:s5], s20  }
0x9e: {  	_ =	swait.ge [sflag:s22], s20  }
0x9f: {  	s4 =	ssub.s32 $0x0, s20;
	[sflag:s22] =	ssyncset.done $0x0  }
0xa0: {  	[sflag:s22] =	ssyncadd.s32 s4;
	_ =	sdelay $0x1  }
0xa1: {  	s23 =	simm.s32 $0x1B8B  }
0xa2: {  	_ =	swait.ge [sflag:s23], $0x1  }
0xa3: {  	[sflag:s23] =	ssyncset.done $0x0  }
0xa4: {  	s25 =	simm.s32 $0x1B8E;
	s24 =	sld [smem:$0x3FFE];
	[sflag:s23] =	ssyncadd.s32 $0xFFFFFFFF  }
0xa5: {  	s26 =	simm.s32 $execute0_lowered;
	[smem:$0x3FD2] =	sst s25  }
0xa6: {  	s5 =	sshll.u32 s26, $0x1;
	_ =	strace $0x80000046;
	[dreg:$0x1] =	wrdreg $0xFFFFFFFF  }
0xa7: {  	s28 =	simm.s32 $_size_execute0_lowered;
	s3 =	sadd.s32 s3, s5;
	[dreg:$0x0] =	wrdreg $0x0  }
0xa8: {  	s5 =	sshll.u32 s28, $0x1;
	[dreg:$0x2] =	wrdreg s3  }
0xa9: {  	[dreg:$0x3] =	wrdreg s5  }
0xaa: {  	[dreg:$0x4] =	wrdreg $0xC0  }
0xab: {  	_ =	task [dreg:s7], $0x5FFFF  }
0xac: {  	[dreg:$0x1] =	wrdreg $0xFFFFFFFF  }
0xad: {  	[dreg:$0x0] =	wrdreg $0x60  }
0xae: {  	[dreg:$0x2] =	wrdreg s24  }
0xaf: {  	[dreg:$0x3] =	wrdreg s2  }
0xb0: {  	[dreg:$0x4] =	wrdreg $0x6F400  }
0xb1: {  	[dreg:$0x5] =	wrdreg $0x9  }
0xb2: {  	_ =	task.clear_ibuf [dreg:s7], $0x6FFFF;
	_ =	strace $0x90000046  }
0xb3: {  	s29 =	simm.s32 $0x9;
	_ =	strace $0x80000048  }
0xb4: {  	_ =	swait.ge [sflag:s29], $0x1  }
0xb5: {  	[sflag:s29] =	ssyncadd.s32 $0xFFFFFFFF  }
0xb6: {  	_ =	strace $0x90000048  }
0xb7: {  	_ =	sfence  }
0xb8: {  	s30 =	sld [smem:$0x0];
	_ =	sdelay $0x2  }
0xb9: {  	s31 =	sshll.u32 s1, $0xD;
	s1 =	sshrl.u32 s1, $0x2  }
0xba: {  	s3 =	sand.u32 $0x4000, s31;
	s1 =	sadd.s32 s1, s30  }
0xbb: {  	s0 =	sor.u32 s3, s0;
	s1 =	sshll.u32 s1, $0x11  }
0xbc: {  	s0 =	sor.u32 s1, s0  }
0xbd: {  	s0 =	sadd.s32 $0x8F2B, s0  }
0xbe: {  	[sflag:s0] =	ssyncadd.remote.s32 $0x1  }
0xbf: {  	_ =	sfence.sel $0xFFFF  }
0xc0: {  	[dreg:$0x0] =	wrdreg $0xFFFFFFFF;
	(pc) =	sbr.abs _section_cstart, $3  }
0xc1: {  	[dreg:$0x1] =	wrdreg $0xFFFFFFFF  }
0xc2: {  	_ =	task.clear_ibuf [dreg:s7], $0x2FFFF;
	_ =	strace $0x9FFFFFFF  }
0xc3: {  	(tm) =	ssettm $0x7FFFFFFF  }
tec
execute0_lowered:
.L_overlay_start_1:
0x0: {  	(tag) =	ssettag $0x1  }
0x1: {  	s8 =	rddreg [dreg:$0x0]  }
0x2: {  	s9 =	rddreg [dreg:$0x1]  }
0x3: {  	s2 =	rddreg [dreg:$0x2]  }
0x4: {  	s4 =	srdreg.scid;
	s0 =	stileid.u32;
	s1 =	simm.s32 $0x0  }
0x5: {  	s17 =	simm.s32 $0xFA0;
	s18 =	simm.s32 $0x1;
	s19 =	simm.s32 $0x3  }
0x6: {  	s20 =	simm.s32 $0x50;
	s21 =	simm.s32 $0x1F40;
	s22 =	simm.s32 $0x3340  }
0x7: {  	s23 =	simm.s32 $0x4740;
	s24 =	simm.s32 $0x2;
	s7 =	sand.u32 $0x1, s4  }
0x8: {  	s10 =	smul.u32 $0x14000, s0;
	[smem:$0x7FF] =	sst s1;
	s4 =	sadd.s32 $0x1200, s8  }
0x9: {  	s5 =	sadd.s32 $0x1EA00, s8;
	s12 =	sshll.u32 s0, $0x1;
	s30 =	sshll.u32 s0, $0x6  }
0xa: {  	s6 =	smul.u32 $0x140000, s7;
	s12 =	sor.u32 s7, s12;
	s14 =	ssub.s32 $0x2, s7  }
0xb: {  	_ =	strace $0x80000047;
	s25 =	smul.u32 $0x500, s12;
	s15 =	sshrl.u32 s14, $0x1  }
0xc: {  	s16 =	sshrl.u32 s10, $0x1;
	s7 =	smul.u32 $0x2710, s12;
	s29 =	sshrl.u32 s10, $0x4  }
0xd: {  	s11 =	sadd.s32 s10, s6;
	s6 =	sadd.s32 $0x14C00, s8;
	s14 =	ssub.s32 s14, s15  }
0xe: {  	s28 =	sadd.s32 s16, s2;
	s16 =	simm.s32 $0x4;
	s11 =	sshrl.u32 s11, $0x4  }
0xf: {  	s26 =	sadd.s32 s25, s8;
	s31 =	sshrl.u32 s7, $0x3;
	s14 =	smax.u32 s14, $0x1  }
0x10: {  	s15 =	sshrl.u32 s28, $0x3;
	s25 =	simm.s32 $0x0;
	s13 =	sadd.s32 s11, s8  }
0x11: {  	s8 =	sadd.s32 s9, s29;
	s9 =	sor.u32 $0x1C04, s30;
	s10 =	sadd.s32 s5, s31  }
0x12: {  	v0 =	vimm.f32 $0.0e+00;
	v1 =	vimm.f32 $1.000000000e+00;
	s11 =	sadd.s32 s6, s31;
	s12 =	sadd.s32 $0x50800, s26;
	s13 =	sadd.s32 $0x28800, s13  }
.LBB2_1:
0x13: {  	[spmem:s15], [sflag:s9] =	dma.local [hbm:s8], $0x1400  }
0x14: {  	_ =	swait.ge [sflag:s16], $0x1400  }
0x15: {  	[sflag:s16] =	ssyncset.done $0x0  }
0x16: {  	s26 =	simm.s32 $0x40;
	s28 =	simm.s32 $0x0;
	[sflag:s16] =	ssyncadd.s32 $0xFFFFEC00  }
.LBB2_2:
0x17: {  	p0 =	sne.s32 s26, $0x9FC0;
	[tilespmem:s28+$0x4740] =	vst v0;
	s28 =	smov.u32 s26;
	s26 =	sadd.s32 $0x40, s26  }
.Ltmp0:
0x18: {  	(pc) =	sbr.rel @p0 .LBB2_2-.Ltmp0, $2  }
0x19: {  	_ =	sdelay $0x2  }
0x1a: {  	s28 =	sshra.s32 s28, $0x2  }
0x1b: {  	[tilespmem:s28+$0x4740] =	vst v0;
	s26 =	simm.s32 $0x0  }
0x1c: {  	[tilespmem:s26], [sflag:$0x3] =	stream.linear.gather [hbm4b:s10+s26], $0x7D0, $0x38;
	[tilespmem:$0x10F40] =	vst v63  }
0x1d: {  	_ = 	snop  }
0x1e: {  	[tilespmem:s17], [sflag:$0x3] =	stream.linear.gather [hbm4b:s11+s26], $0x7D0, $0x38;
	[tilespmem:$0x10F40] =	vst v63  }
0x1f: {  	p0 =	por $0x0, $0x0;
	[bflag:$0x0] =	sbarrier.arrive $0xFFFF  }
.LBB2_4:
0x20: {  	s28 =	smov.u32 s26;
	s29 =	simm.s32 $0x1;
	_ =	swait.ge [sflag:s19], $0x7D0  }
0x21: {  	s26 =	sadd.s32 $0x1, s26;
	p1 =	seq.s32 s28, $0x4;
	s29 =	simm.s32 @!p0 $0x0  }
0x22: {  	[sflag:s19] =	ssyncset.done $0x0;
	s28 =	sand.u32 $0x1, s28;
	s30 =	smul.u32 @!p1 $0x7D0, s26  }
0x23: {  	s29 =	smul.u32 $0x1F40, s29;
	[sflag:s19] =	ssyncadd.s32 $0xFFFFF830;
	s31 =	sxor.u32 @!p1 $0x1, s28  }
0x24: {  	s1 =	simm.s32 @!p1 $0x0;
	_ =	swait.ge [sflag:s19], $0x7D0;
	s30 =	sadd.s32 @!p1 s7, s30  }
0x25: {  	s31 =	smul.u32 @!p1 $0x7D0, s31;
	[sflag:s19] =	ssyncset.done $0x0;
	s30 =	sshrl.u32 @!p1 s30, $0x3  }
0x26: {  	s28 =	smul.u32 $0x7D0, s28;
	[sflag:s19] =	ssyncadd.s32 $0xFFFFF830;
	s0 =	sadd.s32 @!p1 s5, s30  }
0x27: {  	[tilespmem:s31], [sflag:$0x3] =	stream.linear.gather @!p1 [hbm4b:s0+s1], $0x7D0, $0x38;
	[tilespmem:$0x10F40] =	vst v63  }
0x28: {  	s29 =	sshrl.u32 s29, $0x2;
	s30 =	sadd.s32 @!p1 s6, s30;
	s0 =	sadd.s32 @!p1 $0xFA0, s31  }
0x29: {  	[tilespmem:s0], [sflag:$0x3] =	stream.linear.gather @!p1 [hbm4b:s30+s1], $0x7D0, $0x38;
	[tilespmem:$0x10F40] =	vst v63  }
0x2a: {  	s31 =	simm.s32 $0x0;
	s30 =	sadd.s32 $0xFA0, s29  }
0x2b: {  	v2 =	vmov s30;
	[tilespmem:s21], [sflag:$0x1] =	stream.indirect.gather [hbm4b:s4+s20], $0x40, s28, s20, $0xb8;
	[tilespmem:$0x10F40] =	vst v63  }
.LBB2_5:
0x2c: {  	s0 =	sshra.s32 s31, $0x2  }
0x2d: {  	s1 =	sadd.s32 s0, s29  }
0x2e: {  	s3 =	sadd.s32 $0x50, s1  }
0x2f: {  	[tilespmem:s22], [sflag:$0x2] =	stream.indirect.gather [hbm4b:s4+s20], $0x40, s3, s20, $0xb8;
	[tilespmem:$0x10F40] =	vst v63  }
0x30: {  	v3 =	vld.idx.msk [tilespmem:v2+s0+$0x0 ss:$0x1], $0xffff;
	_ =	sdelay $0x7  }
0x31: {  	[tilespmem:v3+s23+$0x0] =	vst.idx.add.f32.msk $0xffff, v1  }
0x32: {  	v3 =	vld.idx.msk [tilespmem:v2+s0+$0x10 ss:$0x1], $0xffff;
	_ =	sdelay $0x7  }
0x33: {  	[tilespmem:v3+s23+$0x0] =	vst.idx.add.f32.msk $0xffff, v1  }
0x34: {  	v3 =	vld.idx.msk [tilespmem:v2+s0+$0x20 ss:$0x1], $0xffff;
	_ =	sdelay $0x7  }
0x35: {  	[tilespmem:v3+s23+$0x0] =	vst.idx.add.f32.msk $0xffff, v1  }
0x36: {  	v3 =	vld.idx.msk [tilespmem:v2+s0+$0x30 ss:$0x1], $0xffff;
	_ =	sdelay $0x7  }
0x37: {  	[tilespmem:v3+s23+$0x0] =	vst.idx.add.f32.msk $0xffff, v1  }
0x38: {  	v3 =	vld.idx.msk [tilespmem:v2+s0+$0x40 ss:$0x1], $0xffff;
	_ =	sdelay $0x7  }
0x39: {  	[tilespmem:v3+s23+$0x0] =	vst.idx.add.f32.msk $0xffff, v1  }
0x3a: {  	_ =	swait.ge [sflag:s18], $0x1400  }
0x3b: {  	[sflag:s18] =	ssyncset.done $0x0  }
0x3c: {  	s3 =	sadd.s32 s0, s30;
	[sflag:s18] =	ssyncadd.s32 $0xFFFFEC00  }
0x3d: {  	[spmem:s2] =	stream.indirect.scatter.add.bf16 [tilespmem:s21], [sflag:$0x4], $0x40, s3, s20, $0xb8;
	[tilespmem:$0x10F40] =	vst v63  }
0x3e: {  	_ =	swait.ge [sflag:s16], $0x1400  }
0x3f: {  	[sflag:s16] =	ssyncset.done $0x0  }
0x40: {  	s1 =	sadd.s32 $0xA0, s1;
	[sflag:s16] =	ssyncadd.s32 $0xFFFFEC00  }
0x41: {  	[tilespmem:s21], [sflag:$0x1] =	stream.indirect.gather [hbm4b:s4+s20], $0x40, s1, s20, $0xb8;
	[tilespmem:$0x10F40] =	vst v63  }
0x42: {  	v3 =	vld.idx.msk [tilespmem:v2+s0+$0x50 ss:$0x1], $0xffff;
	_ =	sdelay $0x7  }
0x43: {  	[tilespmem:v3+s23+$0x0] =	vst.idx.add.f32.msk $0xffff, v1  }
0x44: {  	v3 =	vld.idx.msk [tilespmem:v2+s0+$0x60 ss:$0x1], $0xffff;
	_ =	sdelay $0x7  }
0x45: {  	[tilespmem:v3+s23+$0x0] =	vst.idx.add.f32.msk $0xffff, v1  }
0x46: {  	v3 =	vld.idx.msk [tilespmem:v2+s0+$0x70 ss:$0x1], $0xffff;
	_ =	sdelay $0x7  }
0x47: {  	[tilespmem:v3+s23+$0x0] =	vst.idx.add.f32.msk $0xffff, v1  }
0x48: {  	v3 =	vld.idx.msk [tilespmem:v2+s0+$0x80 ss:$0x1], $0xffff;
	_ =	sdelay $0x7  }
0x49: {  	[tilespmem:v3+s23+$0x0] =	vst.idx.add.f32.msk $0xffff, v1  }
0x4a: {  	v3 =	vld.idx.msk [tilespmem:v2+s0+$0x90 ss:$0x1], $0xffff;
	_ =	sdelay $0x7  }
0x4b: {  	[tilespmem:v3+s23+$0x0] =	vst.idx.add.f32.msk $0xffff, v1  }
0x4c: {  	_ =	swait.ge [sflag:s24], $0x1400  }
0x4d: {  	p1 =	sne.s32 s31, $0x1B80;
	[sflag:s24] =	ssyncset.done $0x0  }
.Ltmp1:
0x4e: {  	s3 =	sadd.s32 $0x50, s3;
	[sflag:s24] =	ssyncadd.s32 $0xFFFFEC00;
	(pc) =	sbr.rel @p1 .LBB2_5-.Ltmp1, $4  }
0x4f: {  	[spmem:s2] =	stream.indirect.scatter.add.bf16 [tilespmem:s22], [sflag:$0x4], $0x40, s3, s20, $0xb8;
	[tilespmem:$0x10F40] =	vst v63  }
0x50: {  	_ =	swait.ge [sflag:s16], $0x1400  }
0x51: {  	[sflag:s16] =	ssyncset.done $0x0  }
0x52: {  	s31 =	sadd.s32 $0x280, s31;
	[sflag:s16] =	ssyncadd.s32 $0xFFFFEC00  }
0x53: {  	v2 =	vld [tilespmem:s28+$0x1720];
	_ =	sdelay $0x7  }
0x54: {  	[tilespmem:v2+s23+$0x0] =	vst.idx.add.f32.msk $0xffff, v1  }
0x55: {  	v2 =	vld [tilespmem:s28+$0x1730];
	_ =	sdelay $0x7  }
0x56: {  	[tilespmem:v2+s23+$0x0] =	vst.idx.add.f32.msk $0xffff, v1  }
0x57: {  	v2 =	vld [tilespmem:s28+$0x1740];
	_ =	sdelay $0x7  }
0x58: {  	[tilespmem:v2+s23+$0x0] =	vst.idx.add.f32.msk $0xffff, v1  }
0x59: {  	v2 =	vld [tilespmem:s28+$0x1750];
	_ =	sdelay $0x7  }
0x5a: {  	[tilespmem:v2+s23+$0x0] =	vst.idx.add.f32.msk $0xffff, v1  }
0x5b: {  	v2 =	vld [tilespmem:s28+$0x1760];
	_ =	sdelay $0x7  }
0x5c: {  	[tilespmem:v2+s23+$0x0] =	vst.idx.add.f32.msk $0xffff, v1  }
0x5d: {  	_ =	swait.ge [sflag:s18], $0x1400  }
0x5e: {  	p1 =	sne.s32 s26, $0x5;
	[sflag:s18] =	ssyncset.done $0x0  }
.Ltmp2:
0x5f: {  	s0 =	sadd.s32 $0x1720, s28;
	[sflag:s18] =	ssyncadd.s32 $0xFFFFEC00;
	(pc) =	sbr.rel @p1 .LBB2_4-.Ltmp2, $4  }
0x60: {  	[spmem:s2] =	stream.indirect.scatter.add.bf16 [tilespmem:s21], [sflag:$0x4], $0x40, s0, s20, $0xb8;
	[tilespmem:$0x10F40] =	vst v63  }
0x61: {  	_ =	swait.ge [sflag:s16], $0x1400  }
0x62: {  	[sflag:s16] =	ssyncset.done $0x0  }
0x63: {  	p0 =	por !p0, !p0;
	[sflag:s16] =	ssyncadd.s32 $0xFFFFEC00  }
0x64: {  	s0 =	simm.s32 $0x0  }
0x65: {  	[hbm4b:s12+s0] =	stream.linear.scatter [tilespmem:s23], [sflag:$0x4], $0x2800, $0x38;
	[tilespmem:$0x10F40] =	vst v63  }
0x66: {  	_ =	swait.ge [sflag:s16], $0x2800  }
0x67: {  	s25 =	sadd.s32 $0x1, s25;
	[sflag:s16] =	ssyncset.done $0x0  }
0x68: {  	p0 =	sne.s32 s25, s14;
	[sflag:s16] =	ssyncadd.s32 $0xFFFFD800  }
.Ltmp3:
0x69: {  	[bflag:$0x0] =	sbarrier.arrive $0xFFFF;
	(pc) =	sbr.rel @p0 .LBB2_1-.Ltmp3, $4  }
0x6a: {  	[hbm:s13], [sflag:s9] =	dma.local [spmem:s15], $0x1400  }
0x6b: {  	_ =	swait.ge [sflag:s16], $0x1400  }
0x6c: {  	[sflag:s16] =	ssyncset.done $0x0  }
0x6d: {  	[sflag:s16] =	ssyncadd.s32 $0xFFFFEC00  }
0x6e: {  	_ =	sfence.sel $0x180000  }
0x6f: {  	[bflag:$0x0] =	sbarrier.arrive $0xFFFF  }
0x70: {  	_ =	strace $0x90000047  }
0x71: {  	s0 =	stileid.u32;
	[bflag:$0x2] =	sbarrier.arrive $0xFFFF  }
0x72: {  	p0 =	sne.s32 s0, $0x0;
	s0 =	rddreg [dreg:$0x3]  }
0x73: {  	s0 =	sadd.s32 @!p0 $0x100000, s0  }
0x74: {  	[sflag:s0] =	ssyncadd.tile.s32 @!p0 $0x1;
	_ =	shalt  }
.Lfunc_end2:
_tile_overlayer_lowered:
.L_overlay_start_2:
0x75: {  	(tag) =	ssettag $0x2  }
0x76: {  	s0 =	rddreg [dreg:$0x0];
	s2 =	stileid.u32  }
0x77: {  	s1 =	rddreg [dreg:$0x1];
	p0 =	sne.s32 s2, $0x0  }
0x78: {  	s3 =	rddreg [dreg:$0x2];
	[bflag:$0x3] =	sbarrier.arrive $0xFFFF;
	s2 =	simm.s32 @!p0 $0x1C04  }
0x79: {  	[timem:s3], [sflag:s2] =	dma.local @!p0 [hbm:s0], s1  }
0x7a: {  	s0 =	simm.s32 @!p0 $0x4  }
0x7b: {  	_ =	swait.ge @!p0 [sflag:s0], s1  }
0x7c: {  	s1 =	ssub.s32 @!p0 $0x0, s1;
	[sflag:s0] =	ssyncset.done @!p0 $0x0  }
0x7d: {  	[sflag:s0] =	ssyncadd.s32 @!p0 s1  }
0x7e: {  	[bflag:$0x3] =	sbarrier.arrive $0xFFFF  }
0x7f: {  	_ =	shalt  }

</sc_bundles>
